<compile_context>
chip_gen: v7x
topology: tpu7x:2x2x1
jax: 0.10.2.dev20260603
libtpu: 0.0.44.dev20260713+nightly
codegen_flags: <defaults>
</compile_context>

<pallas_src>
import functools

import jax
import jax.numpy as jnp
from jax import lax
from jax.experimental import pallas as pl
from jax.experimental.pallas import tpu as pltpu
from jax.experimental.pallas import tpu_sc as plsc

_N = 4096
_K_SEP = 6
_N_TYPES = 85
_N_DBINS = 21
_NW = 32
_ROWS_PER_W = _N // _NW
_L = 16
_NJB = _N // _L
_UNROLL = 4


def _sc_score(xs, ys, zs, types, ty21, res_ids, perm, bounds, pot):
    mesh = plsc.VectorSubcoreMesh(core_axis_name="c", subcore_axis_name="s")

    @functools.partial(
        pl.kernel,
        mesh=mesh,
        out_type=jax.ShapeDtypeStruct((_NW, _L), jnp.float32),
        compiler_params=pltpu.CompilerParams(needs_layout_passes=False),
        scratch_types=[
            pltpu.VMEM((_N,), jnp.float32),
            pltpu.VMEM((_N,), jnp.float32),
            pltpu.VMEM((_N,), jnp.float32),
            pltpu.VMEM((_N,), jnp.int32),
            pltpu.VMEM((_N,), jnp.int32),
            pltpu.VMEM((_N,), jnp.int32),
            pltpu.VMEM((_N,), jnp.int32),
            pltpu.VMEM((2 * _NW,), jnp.int32),
            pltpu.VMEM((_K_SEP * _N_TYPES * _N_DBINS,), jnp.float32),
            pltpu.VMEM((_L,), jnp.float32),
        ],
    )
    def k(xs_h, ys_h, zs_h, ty_h, ty21_h, rs_h, pm_h, bd_h, pot_h, out_h,
          xs_v, ys_v, zs_v, ty_v, ty21_v, rs_v, pm_v, bd_v, slc_v, acc_v):
        wid = lax.axis_index("s") * 2 + lax.axis_index("c")

        pltpu.sync_copy(xs_h, xs_v)
        pltpu.sync_copy(ys_h, ys_v)
        pltpu.sync_copy(zs_h, zs_v)
        pltpu.sync_copy(ty_h, ty_v)
        pltpu.sync_copy(ty21_h, ty21_v)
        pltpu.sync_copy(rs_h, rs_v)
        pltpu.sync_copy(pm_h, pm_v)
        pltpu.sync_copy(bd_h, bd_v)

        widv = jnp.zeros((_L,), jnp.int32) + wid
        b0 = jnp.max(plsc.load_gather(bd_v, [widv]))
        b1 = jnp.max(plsc.load_gather(bd_v, [widv + 1]))

        def row_body(ii, carry):
            acc, ti_prev = carry
            i = jnp.max(plsc.load_gather(
                pm_v, [jnp.zeros((_L,), jnp.int32) + ii]))
            idx_i = jnp.zeros((_L,), jnp.int32) + i
            xi = plsc.load_gather(xs_v, [idx_i])
            yi = plsc.load_gather(ys_v, [idx_i])
            zi = plsc.load_gather(zs_v, [idx_i])
            ri = plsc.load_gather(rs_v, [idx_i])
            ti = jnp.max(plsc.load_gather(ty_v, [idx_i]))

            @pl.when(ti != ti_prev)
            def _():
                pltpu.sync_copy(pot_h.at[ti], slc_v)

            def tap16(j0):
                xj = xs_v[pl.ds(j0, _L)]
                yj = ys_v[pl.ds(j0, _L)]
                zj = zs_v[pl.ds(j0, _L)]
                rj = rs_v[pl.ds(j0, _L)]
                tj21 = ty21_v[pl.ds(j0, _L)]

                dx = xi - xj
                dy = yi - yj
                dz = zi - zj
                s = dx * dx + dy * dy + dz * dz
                s = jnp.maximum(s, jnp.float32(1e-12))
                ib = lax.bitcast_convert_type(s, jnp.int32)
                y = lax.bitcast_convert_type(
                    jnp.int32(0x5F3759DF) - (ib >> 1), jnp.float32)
                h = jnp.float32(0.5) * s
                y = y * (jnp.float32(1.5) - h * y * y)
                y = y * (jnp.float32(1.5) - h * y * y)
                dist = s * y + jnp.float32(1e-8)

                sep = rj - ri
                kk = jnp.clip(sep - 1, 0, _K_SEP - 1)
                d0 = dist.astype(jnp.int32)
                d0v = jnp.minimum(d0, _N_DBINS - 2)
                alpha = dist - d0v.astype(jnp.float32)
                m = kk * (_N_TYPES * _N_DBINS) + tj21 + d0v
                e0 = plsc.load_gather(slc_v, [m])
                e1 = plsc.load_gather(slc_v, [m + 1])
                contrib = e0 + alpha * (e1 - e0) - jnp.float32(2.7)
                valid = (sep > 2) & (dist < jnp.float32(_N_DBINS - 1))
                return jnp.where(valid, contrib, jnp.float32(0.0))

            def j_body(jb, a):
                j0 = jb * (_L * _UNROLL)
                for u in range(_UNROLL):
                    a = a + tap16(j0 + u * _L)
                return a

            jb0 = (i + 1) // (_L * _UNROLL)
            acc = lax.fori_loop(jb0, _NJB // _UNROLL, j_body, acc)
            return acc, ti

        acc, _ = lax.fori_loop(b0, b1, row_body,
                               (jnp.zeros((_L,), jnp.float32),
                                jnp.int32(-1)))
        acc_v[...] = acc
        pltpu.sync_copy(acc_v, out_h.at[wid])

    return k(xs, ys, zs, types, ty21, res_ids, perm, bounds, pot)


def kernel(coords, types, res_ids, pot_tensor):
    xs = coords[:, 0]
    ys = coords[:, 1]
    zs = coords[:, 2]
    pot_r = jnp.transpose(pot_tensor, (1, 0, 2, 3)).reshape(
        _N_TYPES, _K_SEP * _N_TYPES * _N_DBINS)
    ty21 = types * jnp.int32(_N_DBINS)
    perm = jnp.argsort(types).astype(jnp.int32)
    blocks_per_row = (_NJB // _UNROLL) - (perm + 1) // (_L * _UNROLL)
    cost = jnp.cumsum(blocks_per_row + 2)
    targets = jnp.arange(1, _NW, dtype=cost.dtype) * cost[-1] // _NW
    inner = jnp.searchsorted(cost, targets).astype(jnp.int32)
    bounds = jnp.zeros((2 * _NW,), jnp.int32)
    bounds = bounds.at[1:_NW].set(inner).at[_NW].set(_N)
    partials = _sc_score(xs, ys, zs, types, ty21, res_ids, perm, bounds,
                         pot_r)
    return jnp.sum(partials)

# --- scband reference (transcript-rebuilt; emitter-appended) ---
"""Pipeline reference for scband-raspscore-module-395136991936 (READ-ONLY COPY).

The authoritative reference and input builder live on the scoring server;
editing this copy changes nothing except your own understanding.
"""

import jax, jax.numpy as jnp
import numpy as np

N = 4096
K_SEP = 6
N_TYPES = 85
N_DBINS = 21
N_RES = 1200
NBRE_NT_EXCLU = 2

def setup_inputs(seed: int = 0) -> dict:
    key = jax.random.key(seed)
    k1, k2, k3, k4 = jax.random.split(key, 4)
    coords = jax.random.normal(k1, (N, 3), dtype=jnp.float32) * 6.0
    types = jax.random.randint(k2, (N,), 0, N_TYPES).astype(jnp.int32)
    res_ids = jnp.sort(jax.random.randint(k3, (N,), 0, N_RES)).astype(jnp.int32)
    # learned/loaded parameter: RASP energy table [k, t1, t2, d]
    pot_tensor = jax.random.uniform(k4, (K_SEP, N_TYPES, N_TYPES, N_DBINS), dtype=jnp.float32, minval=-1.0, maxval=1.0)
    return {"coords": coords, "types": types, "res_ids": res_ids, "pot_tensor": pot_tensor}

def reference(coords, types, res_ids, pot_tensor):
    n = coords.shape[0]
    i_idx, j_idx = jnp.triu_indices(n, k=1)
    sep = jnp.abs(res_ids[i_idx] - res_ids[j_idx])
    mask = (sep > NBRE_NT_EXCLU) & (types[i_idx] != -1) & (types[j_idx] != -1)
    dists = jnp.linalg.norm(coords[i_idx] - coords[j_idx], axis=1) + 1e-08
    k_vals = jnp.clip(sep - 1, 0, 5).astype(jnp.int32)
    max_d = pot_tensor.shape[3] - 1
    d0 = jnp.floor(jnp.clip(dists, 0, max_d)).astype(jnp.int32)
    d1 = jnp.minimum(d0 + 1, max_d)
    alpha = dists - d0.astype(jnp.float32)
    ti = types[i_idx]
    tj = types[j_idx]
    e0 = pot_tensor[k_vals, ti, tj, d0]
    e1 = pot_tensor[k_vals, ti, tj, d1]
    contrib = ((1.0 - alpha) * e0 + alpha * e1 - 2.7) * (dists < max_d).astype(jnp.float32)
    return jnp.sum(jnp.where(mask, contrib, 0.0))

if __name__ == "__main__":
    import jax
    _d = setup_inputs()
    print(jax.jit(kernel)(*tuple(_d.values())))

</pallas_src>

<mosaic_0001>
#map = affine_map<(d0, d1) -> (0)>
#map1 = affine_map<(d0, d1) -> (0, 0)>
module attributes {stable_mosaic.version = 14 : i64} {
  func.func @k(%arg0: i32, %arg1: i32, %arg2: memref<4096xf32, #tpu.memory_space<hbm>>, %arg3: memref<4096xf32, #tpu.memory_space<hbm>>, %arg4: memref<4096xf32, #tpu.memory_space<hbm>>, %arg5: memref<4096xi32, #tpu.memory_space<hbm>>, %arg6: memref<4096xi32, #tpu.memory_space<hbm>>, %arg7: memref<4096xi32, #tpu.memory_space<hbm>>, %arg8: memref<4096xi32, #tpu.memory_space<hbm>>, %arg9: memref<64xi32, #tpu.memory_space<hbm>>, %arg10: memref<85x10710xf32, #tpu.memory_space<hbm>>, %arg11: memref<32x16xf32, #tpu.memory_space<hbm>>, %arg12: memref<4096xf32, #tpu.memory_space<vmem>>, %arg13: memref<4096xf32, #tpu.memory_space<vmem>>, %arg14: memref<4096xf32, #tpu.memory_space<vmem>>, %arg15: memref<4096xi32, #tpu.memory_space<vmem>>, %arg16: memref<4096xi32, #tpu.memory_space<vmem>>, %arg17: memref<4096xi32, #tpu.memory_space<vmem>>, %arg18: memref<4096xi32, #tpu.memory_space<vmem>>, %arg19: memref<64xi32, #tpu.memory_space<vmem>>, %arg20: memref<10710xf32, #tpu.memory_space<vmem>>, %arg21: memref<16xf32, #tpu.memory_space<vmem>>) attributes {dimension_semantics = [#tpu.dimension_semantics<core_parallel>, #tpu.dimension_semantics<subcore_parallel>], iteration_bounds = array<i64: 2, 16>, scalar_prefetch = 0 : i64, scratch_operands = 10 : i64, tpu.core_type = #tpu.core_type<sc_vector_subcore>, window_params = [{transform_indices = #map}, {transform_indices = #map}, {transform_indices = #map}, {transform_indices = #map}, {transform_indices = #map}, {transform_indices = #map}, {transform_indices = #map}, {transform_indices = #map}, {transform_indices = #map1}, {transform_indices = #map1}]} {
    %mul3A = arith.constant 2 : i32
    %mul3A_0 = arith.muli %arg1, %mul3A : i32
    %add3A = arith.addi %mul3A_0, %arg0 : i32
    "tpu.region"() ({
      %run_scoped3A = tpu.sem_alloc : memref<!tpu.dma_semaphore, #tpu.memory_space<semaphore_mem>>
      tpu.enqueue_dma source(%arg2 : memref<4096xf32, #tpu.memory_space<hbm>>) target(%arg12 : memref<4096xf32, #tpu.memory_space<vmem>>) target_semaphore(%run_scoped3A : memref<!tpu.dma_semaphore, #tpu.memory_space<semaphore_mem>>)
      tpu.wait_dma2 semaphore(%run_scoped3A : memref<!tpu.dma_semaphore, #tpu.memory_space<semaphore_mem>>) src(%arg2 : memref<4096xf32, #tpu.memory_space<hbm>>) dst(%arg12 : memref<4096xf32, #tpu.memory_space<vmem>>)
      tpu.yield
    }) : () -> ()
    "tpu.region"() ({
      %run_scoped3A = tpu.sem_alloc : memref<!tpu.dma_semaphore, #tpu.memory_space<semaphore_mem>>
      tpu.enqueue_dma source(%arg3 : memref<4096xf32, #tpu.memory_space<hbm>>) target(%arg13 : memref<4096xf32, #tpu.memory_space<vmem>>) target_semaphore(%run_scoped3A : memref<!tpu.dma_semaphore, #tpu.memory_space<semaphore_mem>>)
      tpu.wait_dma2 semaphore(%run_scoped3A : memref<!tpu.dma_semaphore, #tpu.memory_space<semaphore_mem>>) src(%arg3 : memref<4096xf32, #tpu.memory_space<hbm>>) dst(%arg13 : memref<4096xf32, #tpu.memory_space<vmem>>)
      tpu.yield
    }) : () -> ()
    "tpu.region"() ({
      %run_scoped3A = tpu.sem_alloc : memref<!tpu.dma_semaphore, #tpu.memory_space<semaphore_mem>>
      tpu.enqueue_dma source(%arg4 : memref<4096xf32, #tpu.memory_space<hbm>>) target(%arg14 : memref<4096xf32, #tpu.memory_space<vmem>>) target_semaphore(%run_scoped3A : memref<!tpu.dma_semaphore, #tpu.memory_space<semaphore_mem>>)
      tpu.wait_dma2 semaphore(%run_scoped3A : memref<!tpu.dma_semaphore, #tpu.memory_space<semaphore_mem>>) src(%arg4 : memref<4096xf32, #tpu.memory_space<hbm>>) dst(%arg14 : memref<4096xf32, #tpu.memory_space<vmem>>)
      tpu.yield
    }) : () -> ()
    "tpu.region"() ({
      %run_scoped3A = tpu.sem_alloc : memref<!tpu.dma_semaphore, #tpu.memory_space<semaphore_mem>>
      tpu.enqueue_dma source(%arg5 : memref<4096xi32, #tpu.memory_space<hbm>>) target(%arg15 : memref<4096xi32, #tpu.memory_space<vmem>>) target_semaphore(%run_scoped3A : memref<!tpu.dma_semaphore, #tpu.memory_space<semaphore_mem>>)
      tpu.wait_dma2 semaphore(%run_scoped3A : memref<!tpu.dma_semaphore, #tpu.memory_space<semaphore_mem>>) src(%arg5 : memref<4096xi32, #tpu.memory_space<hbm>>) dst(%arg15 : memref<4096xi32, #tpu.memory_space<vmem>>)
      tpu.yield
    }) : () -> ()
    "tpu.region"() ({
      %run_scoped3A = tpu.sem_alloc : memref<!tpu.dma_semaphore, #tpu.memory_space<semaphore_mem>>
      tpu.enqueue_dma source(%arg6 : memref<4096xi32, #tpu.memory_space<hbm>>) target(%arg16 : memref<4096xi32, #tpu.memory_space<vmem>>) target_semaphore(%run_scoped3A : memref<!tpu.dma_semaphore, #tpu.memory_space<semaphore_mem>>)
      tpu.wait_dma2 semaphore(%run_scoped3A : memref<!tpu.dma_semaphore, #tpu.memory_space<semaphore_mem>>) src(%arg6 : memref<4096xi32, #tpu.memory_space<hbm>>) dst(%arg16 : memref<4096xi32, #tpu.memory_space<vmem>>)
      tpu.yield
    }) : () -> ()
    "tpu.region"() ({
      %run_scoped3A = tpu.sem_alloc : memref<!tpu.dma_semaphore, #tpu.memory_space<semaphore_mem>>
      tpu.enqueue_dma source(%arg7 : memref<4096xi32, #tpu.memory_space<hbm>>) target(%arg17 : memref<4096xi32, #tpu.memory_space<vmem>>) target_semaphore(%run_scoped3A : memref<!tpu.dma_semaphore, #tpu.memory_space<semaphore_mem>>)
      tpu.wait_dma2 semaphore(%run_scoped3A : memref<!tpu.dma_semaphore, #tpu.memory_space<semaphore_mem>>) src(%arg7 : memref<4096xi32, #tpu.memory_space<hbm>>) dst(%arg17 : memref<4096xi32, #tpu.memory_space<vmem>>)
      tpu.yield
    }) : () -> ()
    "tpu.region"() ({
      %run_scoped3A = tpu.sem_alloc : memref<!tpu.dma_semaphore, #tpu.memory_space<semaphore_mem>>
      tpu.enqueue_dma source(%arg8 : memref<4096xi32, #tpu.memory_space<hbm>>) target(%arg18 : memref<4096xi32, #tpu.memory_space<vmem>>) target_semaphore(%run_scoped3A : memref<!tpu.dma_semaphore, #tpu.memory_space<semaphore_mem>>)
      tpu.wait_dma2 semaphore(%run_scoped3A : memref<!tpu.dma_semaphore, #tpu.memory_space<semaphore_mem>>) src(%arg8 : memref<4096xi32, #tpu.memory_space<hbm>>) dst(%arg18 : memref<4096xi32, #tpu.memory_space<vmem>>)
      tpu.yield
    }) : () -> ()
    "tpu.region"() ({
      %run_scoped3A = tpu.sem_alloc : memref<!tpu.dma_semaphore, #tpu.memory_space<semaphore_mem>>
      tpu.enqueue_dma source(%arg9 : memref<64xi32, #tpu.memory_space<hbm>>) target(%arg19 : memref<64xi32, #tpu.memory_space<vmem>>) target_semaphore(%run_scoped3A : memref<!tpu.dma_semaphore, #tpu.memory_space<semaphore_mem>>)
      tpu.wait_dma2 semaphore(%run_scoped3A : memref<!tpu.dma_semaphore, #tpu.memory_space<semaphore_mem>>) src(%arg9 : memref<64xi32, #tpu.memory_space<hbm>>) dst(%arg19 : memref<64xi32, #tpu.memory_space<vmem>>)
      tpu.yield
    }) : () -> ()
    %broadcast_in_dim3A = arith.constant 0 : i32
    %broadcast_in_dim3A_1 = vector.broadcast %broadcast_in_dim3A : i32 to vector<16xi32>
    %add3A_2 = vector.broadcast %add3A : i32 to vector<16xi32>
    %add3A_3 = arith.addi %broadcast_in_dim3A_1, %add3A_2 : vector<16xi32>
    %gather3A = tpu.vector_load_idx %arg19[%add3A_3] : memref<64xi32, #tpu.memory_space<vmem>>[vector<16xi32>], vector<16xi32>,
    %reduce_max3A = arith.constant true
    %reduce_max3A_4 = vector.broadcast %reduce_max3A : i1 to vector<16xi1>
    %reduce_max3A_5 = arith.constant -2147483648 : i32
    %reduce_max3A_6 = vector.broadcast %reduce_max3A_5 : i32 to vector<16xi32>
    %reduce_max3A_7 = arith.xori %gather3A, %reduce_max3A_6 : vector<16xi32>
    %reduce_max3A_8 = tpu.scan <max>, %reduce_max3A_7 masked %reduce_max3A_4 : vector<16xi32>, vector<16xi1> -> vector<16xi32>
    %reduce_max3A_9 = arith.xori %reduce_max3A_8, %reduce_max3A_6 : vector<16xi32>
    %reduce_max3A_10 = vector.extract %reduce_max3A_9[15] : i32 from vector<16xi32>
    %add3A_11 = arith.constant 1 : i32
    %add3A_12 = vector.broadcast %add3A_11 : i32 to vector<16xi32>
    %add3A_13 = arith.addi %add3A_3, %add3A_12 : vector<16xi32>
    %gather3A_14 = tpu.vector_load_idx %arg19[%add3A_13] : memref<64xi32, #tpu.memory_space<vmem>>[vector<16xi32>], vector<16xi32>,
    %reduce_max3A_15 = arith.constant true
    %reduce_max3A_16 = vector.broadcast %reduce_max3A_15 : i1 to vector<16xi1>
    %reduce_max3A_17 = arith.constant -2147483648 : i32
    %reduce_max3A_18 = vector.broadcast %reduce_max3A_17 : i32 to vector<16xi32>
    %reduce_max3A_19 = arith.xori %gather3A_14, %reduce_max3A_18 : vector<16xi32>
    %reduce_max3A_20 = tpu.scan <max>, %reduce_max3A_19 masked %reduce_max3A_16 : vector<16xi32>, vector<16xi1> -> vector<16xi32>
    %reduce_max3A_21 = arith.xori %reduce_max3A_20, %reduce_max3A_18 : vector<16xi32>
    %reduce_max3A_22 = vector.extract %reduce_max3A_21[15] : i32 from vector<16xi32>
    %broadcast_in_dim3A_23 = arith.constant 0.000000e+00 : f32
    %broadcast_in_dim3A_24 = vector.broadcast %broadcast_in_dim3A_23 : f32 to vector<16xf32>
    %while3A = arith.constant -1 : i32
    %while3A_25 = arith.subi %reduce_max3A_22, %reduce_max3A_10 : i32
    %while3A_26 = arith.addi %reduce_max3A_10, %while3A_25 : i32
    %while3A_27 = arith.constant 1 : i32
    %while3A_28 = arith.divsi %while3A_25, %while3A_27 : i32
    %while3A_29 = arith.muli %while3A_28, %while3A_27 : i32
    %while3A_30 = arith.addi %reduce_max3A_10, %while3A_29 : i32
    %while3A_31 = arith.constant 1 : i32
    %while3A_32:2 = scf.for %while3A_36 = %reduce_max3A_10 to %while3A_30 step %while3A_31 iter_args(%while3A_37 = %broadcast_in_dim3A_24, %while3A_38 = %while3A) -> (vector<16xf32>, i32)  : i32 {
      %broadcast_in_dim3A_39 = arith.constant 0 : i32
      %broadcast_in_dim3A_40 = vector.broadcast %broadcast_in_dim3A_39 : i32 to vector<16xi32>
      %add3A_41 = vector.broadcast %while3A_36 : i32 to vector<16xi32>
      %add3A_42 = arith.addi %broadcast_in_dim3A_40, %add3A_41 : vector<16xi32>
      %gather3A_43 = tpu.vector_load_idx %arg18[%add3A_42] : memref<4096xi32, #tpu.memory_space<vmem>>[vector<16xi32>], vector<16xi32>,
      %reduce_max3A_44 = arith.constant true
      %reduce_max3A_45 = vector.broadcast %reduce_max3A_44 : i1 to vector<16xi1>
      %reduce_max3A_46 = arith.constant -2147483648 : i32
      %reduce_max3A_47 = vector.broadcast %reduce_max3A_46 : i32 to vector<16xi32>
      %reduce_max3A_48 = arith.xori %gather3A_43, %reduce_max3A_47 : vector<16xi32>
      %reduce_max3A_49 = tpu.scan <max>, %reduce_max3A_48 masked %reduce_max3A_45 : vector<16xi32>, vector<16xi1> -> vector<16xi32>
      %reduce_max3A_50 = arith.xori %reduce_max3A_49, %reduce_max3A_47 : vector<16xi32>
      %reduce_max3A_51 = vector.extract %reduce_max3A_50[15] : i32 from vector<16xi32>
      %broadcast_in_dim3A_52 = arith.constant 0 : i32
      %broadcast_in_dim3A_53 = vector.broadcast %broadcast_in_dim3A_52 : i32 to vector<16xi32>
      %add3A_54 = vector.broadcast %reduce_max3A_51 : i32 to vector<16xi32>
      %add3A_55 = arith.addi %broadcast_in_dim3A_53, %add3A_54 : vector<16xi32>
      %gather3A_56 = tpu.vector_load_idx %arg12[%add3A_55] : memref<4096xf32, #tpu.memory_space<vmem>>[vector<16xi32>], vector<16xf32>,
      %gather3A_57 = tpu.vector_load_idx %arg13[%add3A_55] : memref<4096xf32, #tpu.memory_space<vmem>>[vector<16xi32>], vector<16xf32>,
      %gather3A_58 = tpu.vector_load_idx %arg14[%add3A_55] : memref<4096xf32, #tpu.memory_space<vmem>>[vector<16xi32>], vector<16xf32>,
      %gather3A_59 = tpu.vector_load_idx %arg17[%add3A_55] : memref<4096xi32, #tpu.memory_space<vmem>>[vector<16xi32>], vector<16xi32>,
      %gather3A_60 = tpu.vector_load_idx %arg15[%add3A_55] : memref<4096xi32, #tpu.memory_space<vmem>>[vector<16xi32>], vector<16xi32>,
      %reduce_max3A_61 = arith.constant true
      %reduce_max3A_62 = vector.broadcast %reduce_max3A_61 : i1 to vector<16xi1>
      %reduce_max3A_63 = arith.constant -2147483648 : i32
      %reduce_max3A_64 = vector.broadcast %reduce_max3A_63 : i32 to vector<16xi32>
      %reduce_max3A_65 = arith.xori %gather3A_60, %reduce_max3A_64 : vector<16xi32>
      %reduce_max3A_66 = tpu.scan <max>, %reduce_max3A_65 masked %reduce_max3A_62 : vector<16xi32>, vector<16xi1> -> vector<16xi32>
      %reduce_max3A_67 = arith.xori %reduce_max3A_66, %reduce_max3A_64 : vector<16xi32>
      %reduce_max3A_68 = vector.extract %reduce_max3A_67[15] : i32 from vector<16xi32>
      %ne3A = arith.cmpi ne, %reduce_max3A_68, %while3A_38 : i32
      %convert_element_type3A = arith.extui %ne3A : i1 to i32
      %cond3A = arith.constant 0 : i32
      %cond3A_69 = arith.cmpi ne, %convert_element_type3A, %cond3A : i32
      scf.if %cond3A_69 {
        "tpu.region"() ({
          %run_scoped3A = tpu.sem_alloc : memref<!tpu.dma_semaphore, #tpu.memory_space<semaphore_mem>>
          %dma_start3A = arith.constant 0 : i32
          %dma_start3A_100 = tpu.memref_slice %arg10[%reduce_max3A_68, %dma_start3A] : memref<85x10710xf32, #tpu.memory_space<hbm>> -> memref<1x10710xf32, #tpu.memory_space<hbm>>
          %dma_start3A_101 = tpu.memref_squeeze %dma_start3A_100 : memref<1x10710xf32, #tpu.memory_space<hbm>> -> memref<10710xf32, #tpu.memory_space<hbm>>
          %dma_start3A_102 = arith.constant 0 : i32
          %dma_start3A_103 = tpu.memref_slice %arg10[%reduce_max3A_68, %dma_start3A_102] : memref<85x10710xf32, #tpu.memory_space<hbm>> -> memref<1x10710xf32, #tpu.memory_space<hbm>>
          %dma_start3A_104 = tpu.memref_squeeze %dma_start3A_103 : memref<1x10710xf32, #tpu.memory_space<hbm>> -> memref<10710xf32, #tpu.memory_space<hbm>>
          tpu.enqueue_dma source(%dma_start3A_104 : memref<10710xf32, #tpu.memory_space<hbm>>) target(%arg20 : memref<10710xf32, #tpu.memory_space<vmem>>) target_semaphore(%run_scoped3A : memref<!tpu.dma_semaphore, #tpu.memory_space<semaphore_mem>>)
          %dma_wait3A = arith.constant 0 : i32
          %dma_wait3A_105 = tpu.memref_slice %arg10[%reduce_max3A_68, %dma_wait3A] : memref<85x10710xf32, #tpu.memory_space<hbm>> -> memref<1x10710xf32, #tpu.memory_space<hbm>>
          %dma_wait3A_106 = tpu.memref_squeeze %dma_wait3A_105 : memref<1x10710xf32, #tpu.memory_space<hbm>> -> memref<10710xf32, #tpu.memory_space<hbm>>
          %dma_wait3A_107 = arith.constant 0 : i32
          %dma_wait3A_108 = tpu.memref_slice %arg10[%reduce_max3A_68, %dma_wait3A_107] : memref<85x10710xf32, #tpu.memory_space<hbm>> -> memref<1x10710xf32, #tpu.memory_space<hbm>>
          %dma_wait3A_109 = tpu.memref_squeeze %dma_wait3A_108 : memref<1x10710xf32, #tpu.memory_space<hbm>> -> memref<10710xf32, #tpu.memory_space<hbm>>
          tpu.wait_dma2 semaphore(%run_scoped3A : memref<!tpu.dma_semaphore, #tpu.memory_space<semaphore_mem>>) src(%dma_wait3A_109 : memref<10710xf32, #tpu.memory_space<hbm>>) dst(%arg20 : memref<10710xf32, #tpu.memory_space<vmem>>)
          tpu.yield
        }) : () -> ()
      } else {
      }
      %add3A_70 = arith.constant 1 : i32
      %add3A_71 = arith.addi %reduce_max3A_51, %add3A_70 : i32
      %jit3A = arith.constant 64 : i32
      %div3A = arith.divsi %add3A_71, %jit3A : i32
      %sign3A = arith.constant 0 : i32
      %sign3A_72 = arith.cmpi sgt, %add3A_71, %sign3A : i32
      %sign3A_73 = arith.extui %sign3A_72 : i1 to i32
      %sign3A_74 = arith.constant 0 : i32
      %sign3A_75 = arith.cmpi slt, %add3A_71, %sign3A_74 : i32
      %sign3A_76 = arith.extui %sign3A_75 : i1 to i32
      %sign3A_77 = arith.subi %sign3A_73, %sign3A_76 : i32
      %sign3A_78 = arith.constant 0 : i32
      %sign3A_79 = arith.cmpi sgt, %jit3A, %sign3A_78 : i32
      %sign3A_80 = arith.extui %sign3A_79 : i1 to i32
      %sign3A_81 = arith.constant 0 : i32
      %sign3A_82 = arith.cmpi slt, %jit3A, %sign3A_81 : i32
      %sign3A_83 = arith.extui %sign3A_82 : i1 to i32
      %sign3A_84 = arith.subi %sign3A_80, %sign3A_83 : i32
      %ne3A_85 = arith.cmpi ne, %sign3A_77, %sign3A_84 : i32
      %rem3A = arith.remsi %add3A_71, %jit3A : i32
      %ne3A_86 = arith.constant 0 : i32
      %ne3A_87 = arith.cmpi ne, %rem3A, %ne3A_86 : i32
      %and3A = arith.andi %ne3A_85, %ne3A_87 : i1
      %sub3A = arith.constant 1 : i32
      %sub3A_88 = arith.subi %div3A, %sub3A : i32
      %select_n3A = arith.select %and3A, %sub3A_88, %div3A : i32
      %while3A_89 = arith.constant 64 : i32
      %while3A_90 = arith.subi %while3A_89, %select_n3A : i32
      %while3A_91 = arith.addi %select_n3A, %while3A_90 : i32
      %while3A_92 = arith.constant 1 : i32
      %while3A_93 = arith.divsi %while3A_90, %while3A_92 : i32
      %while3A_94 = arith.muli %while3A_93, %while3A_92 : i32
      %while3A_95 = arith.addi %select_n3A, %while3A_94 : i32
      %while3A_96 = arith.constant 1 : i32
      %while3A_97 = scf.for %while3A_100 = %select_n3A to %while3A_95 step %while3A_96 iter_args(%while3A_101 = %while3A_37) -> (vector<16xf32>)  : i32 {
        %mul3A_102 = arith.constant 64 : i32
        %mul3A_103 = arith.muli %while3A_100, %mul3A_102 : i32
        %add3A_104 = arith.constant 0 : i32
        %add3A_105 = arith.addi %mul3A_103, %add3A_104 : i32
        %get3A = arith.index_cast %add3A_105 : i32 to index
        %get3A_106 = tpu.vector_load %arg12[%get3A] {strides = array<i32>} : memref<4096xf32, #tpu.memory_space<vmem>>, vector<16xf32>,
        %get3A_107 = arith.index_cast %add3A_105 : i32 to index
        %get3A_108 = tpu.vector_load %arg13[%get3A_107] {strides = array<i32>} : memref<4096xf32, #tpu.memory_space<vmem>>, vector<16xf32>,
        %get3A_109 = arith.index_cast %add3A_105 : i32 to index
        %get3A_110 = tpu.vector_load %arg14[%get3A_109] {strides = array<i32>} : memref<4096xf32, #tpu.memory_space<vmem>>, vector<16xf32>,
        %get3A_111 = arith.index_cast %add3A_105 : i32 to index
        %get3A_112 = tpu.vector_load %arg17[%get3A_111] {strides = array<i32>} : memref<4096xi32, #tpu.memory_space<vmem>>, vector<16xi32>,
        %get3A_113 = arith.index_cast %add3A_105 : i32 to index
        %get3A_114 = tpu.vector_load %arg16[%get3A_113] {strides = array<i32>} : memref<4096xi32, #tpu.memory_space<vmem>>, vector<16xi32>,
        %sub3A_115 = arith.subf %gather3A_56, %get3A_106 : vector<16xf32>
        %sub3A_116 = arith.subf %gather3A_57, %get3A_108 : vector<16xf32>
        %sub3A_117 = arith.subf %gather3A_58, %get3A_110 : vector<16xf32>
        %mul3A_118 = arith.mulf %sub3A_115, %sub3A_115 : vector<16xf32>
        %mul3A_119 = arith.mulf %sub3A_116, %sub3A_116 : vector<16xf32>
        %add3A_120 = arith.addf %mul3A_118, %mul3A_119 : vector<16xf32>
        %mul3A_121 = arith.mulf %sub3A_117, %sub3A_117 : vector<16xf32>
        %add3A_122 = arith.addf %add3A_120, %mul3A_121 : vector<16xf32>
        %max3A = arith.constant 9.99999996E-13 : f32
        %max3A_123 = vector.broadcast %max3A : f32 to vector<16xf32>
        %max3A_124 = arith.maximumf %add3A_122, %max3A_123 : vector<16xf32>
        %bitcast_convert_type3A = tpu.bitcast %max3A_124 : vector<16xf32> -> vector<16xi32>
        %shift_right_arithmetic3A = arith.constant 1 : i32
        %shift_right_arithmetic3A_125 = vector.broadcast %shift_right_arithmetic3A : i32 to vector<16xi32>
        %shift_right_arithmetic3A_126 = arith.shrsi %bitcast_convert_type3A, %shift_right_arithmetic3A_125 : vector<16xi32>
        %sub3A_127 = arith.constant 1597463007 : i32
        %sub3A_128 = vector.broadcast %sub3A_127 : i32 to vector<16xi32>
        %sub3A_129 = arith.subi %sub3A_128, %shift_right_arithmetic3A_126 : vector<16xi32>
        %bitcast_convert_type3A_130 = tpu.bitcast %sub3A_129 : vector<16xi32> -> vector<16xf32>
        %mul3A_131 = arith.constant 5.000000e-01 : f32
        %mul3A_132 = vector.broadcast %mul3A_131 : f32 to vector<16xf32>
        %mul3A_133 = arith.mulf %mul3A_132, %max3A_124 : vector<16xf32>
        %mul3A_134 = arith.mulf %mul3A_133, %bitcast_convert_type3A_130 : vector<16xf32>
        %mul3A_135 = arith.mulf %mul3A_134, %bitcast_convert_type3A_130 : vector<16xf32>
        %sub3A_136 = arith.constant 1.500000e+00 : f32
        %sub3A_137 = vector.broadcast %sub3A_136 : f32 to vector<16xf32>
        %sub3A_138 = arith.subf %sub3A_137, %mul3A_135 : vector<16xf32>
        %mul3A_139 = arith.mulf %bitcast_convert_type3A_130, %sub3A_138 : vector<16xf32>
        %mul3A_140 = arith.mulf %mul3A_133, %mul3A_139 : vector<16xf32>
        %mul3A_141 = arith.mulf %mul3A_140, %mul3A_139 : vector<16xf32>
        %sub3A_142 = arith.constant 1.500000e+00 : f32
        %sub3A_143 = vector.broadcast %sub3A_142 : f32 to vector<16xf32>
        %sub3A_144 = arith.subf %sub3A_143, %mul3A_141 : vector<16xf32>
        %mul3A_145 = arith.mulf %mul3A_139, %sub3A_144 : vector<16xf32>
        %mul3A_146 = arith.mulf %max3A_124, %mul3A_145 : vector<16xf32>
        %add3A_147 = arith.constant 9.99999993E-9 : f32
        %add3A_148 = vector.broadcast %add3A_147 : f32 to vector<16xf32>
        %add3A_149 = arith.addf %mul3A_146, %add3A_148 : vector<16xf32>
        %sub3A_150 = arith.subi %get3A_112, %gather3A_59 : vector<16xi32>
        %sub3A_151 = arith.constant 1 : i32
        %sub3A_152 = vector.broadcast %sub3A_151 : i32 to vector<16xi32>
        %sub3A_153 = arith.subi %sub3A_150, %sub3A_152 : vector<16xi32>
        %jit3A_154 = arith.constant 0 : i32
        %jit3A_155 = arith.constant 5 : i32
        %max3A_156 = vector.broadcast %jit3A_154 : i32 to vector<16xi32>
        %max3A_157 = arith.maxsi %max3A_156, %sub3A_153 : vector<16xi32>
        %min3A = vector.broadcast %jit3A_155 : i32 to vector<16xi32>
        %min3A_158 = arith.minsi %min3A, %max3A_157 : vector<16xi32>
        %convert_element_type3A_159 = arith.fptosi %add3A_149 : vector<16xf32> to vector<16xi32>
        %min3A_160 = arith.constant 19 : i32
        %min3A_161 = vector.broadcast %min3A_160 : i32 to vector<16xi32>
        %min3A_162 = arith.minsi %convert_element_type3A_159, %min3A_161 : vector<16xi32>
        %convert_element_type3A_163 = arith.sitofp %min3A_162 : vector<16xi32> to vector<16xf32>
        %sub3A_164 = arith.subf %add3A_149, %convert_element_type3A_163 : vector<16xf32>
        %mul3A_165 = arith.constant 1785 : i32
        %mul3A_166 = vector.broadcast %mul3A_165 : i32 to vector<16xi32>
        %mul3A_167 = arith.muli %min3A_158, %mul3A_166 : vector<16xi32>
        %add3A_168 = arith.addi %mul3A_167, %get3A_114 : vector<16xi32>
        %add3A_169 = arith.addi %add3A_168, %min3A_162 : vector<16xi32>
        %gather3A_170 = tpu.vector_load_idx %arg20[%add3A_169] : memref<10710xf32, #tpu.memory_space<vmem>>[vector<16xi32>], vector<16xf32>,
        %add3A_171 = arith.constant 1 : i32
        %add3A_172 = vector.broadcast %add3A_171 : i32 to vector<16xi32>
        %add3A_173 = arith.addi %add3A_169, %add3A_172 : vector<16xi32>
        %gather3A_174 = tpu.vector_load_idx %arg20[%add3A_173] : memref<10710xf32, #tpu.memory_space<vmem>>[vector<16xi32>], vector<16xf32>,
        %sub3A_175 = arith.subf %gather3A_174, %gather3A_170 : vector<16xf32>
        %mul3A_176 = arith.mulf %sub3A_164, %sub3A_175 : vector<16xf32>
        %add3A_177 = arith.addf %gather3A_170, %mul3A_176 : vector<16xf32>
        %sub3A_178 = arith.constant 2.700000e+00 : f32
        %sub3A_179 = vector.broadcast %sub3A_178 : f32 to vector<16xf32>
        %sub3A_180 = arith.subf %add3A_177, %sub3A_179 : vector<16xf32>
        %gt3A = arith.constant 2 : i32
        %gt3A_181 = vector.broadcast %gt3A : i32 to vector<16xi32>
        %gt3A_182 = arith.cmpi sgt, %sub3A_150, %gt3A_181 : vector<16xi32>
        %lt3A = arith.constant 2.000000e+01 : f32
        %lt3A_183 = vector.broadcast %lt3A : f32 to vector<16xf32>
        %lt3A_184 = arith.cmpf olt, %add3A_149, %lt3A_183 : vector<16xf32>
        %and3A_185 = arith.andi %gt3A_182, %lt3A_184 : vector<16xi1>
        %jit3A_186 = arith.constant 0.000000e+00 : f32
        %broadcast_in_dim3A_187 = vector.broadcast %jit3A_186 : f32 to vector<16xf32>
        %select_n3A_188 = arith.select %and3A_185, %sub3A_180, %broadcast_in_dim3A_187 : vector<16xi1>, vector<16xf32>
        %add3A_189 = arith.addf %while3A_101, %select_n3A_188 : vector<16xf32>
        %add3A_190 = arith.constant 16 : i32
        %add3A_191 = arith.addi %mul3A_103, %add3A_190 : i32
        %get3A_192 = arith.index_cast %add3A_191 : i32 to index
        %get3A_193 = tpu.vector_load %arg12[%get3A_192] {strides = array<i32>} : memref<4096xf32, #tpu.memory_space<vmem>>, vector<16xf32>,
        %get3A_194 = arith.index_cast %add3A_191 : i32 to index
        %get3A_195 = tpu.vector_load %arg13[%get3A_194] {strides = array<i32>} : memref<4096xf32, #tpu.memory_space<vmem>>, vector<16xf32>,
        %get3A_196 = arith.index_cast %add3A_191 : i32 to index
        %get3A_197 = tpu.vector_load %arg14[%get3A_196] {strides = array<i32>} : memref<4096xf32, #tpu.memory_space<vmem>>, vector<16xf32>,
        %get3A_198 = arith.index_cast %add3A_191 : i32 to index
        %get3A_199 = tpu.vector_load %arg17[%get3A_198] {strides = array<i32>} : memref<4096xi32, #tpu.memory_space<vmem>>, vector<16xi32>,
        %get3A_200 = arith.index_cast %add3A_191 : i32 to index
        %get3A_201 = tpu.vector_load %arg16[%get3A_200] {strides = array<i32>} : memref<4096xi32, #tpu.memory_space<vmem>>, vector<16xi32>,
        %sub3A_202 = arith.subf %gather3A_56, %get3A_193 : vector<16xf32>
        %sub3A_203 = arith.subf %gather3A_57, %get3A_195 : vector<16xf32>
        %sub3A_204 = arith.subf %gather3A_58, %get3A_197 : vector<16xf32>
        %mul3A_205 = arith.mulf %sub3A_202, %sub3A_202 : vector<16xf32>
        %mul3A_206 = arith.mulf %sub3A_203, %sub3A_203 : vector<16xf32>
        %add3A_207 = arith.addf %mul3A_205, %mul3A_206 : vector<16xf32>
        %mul3A_208 = arith.mulf %sub3A_204, %sub3A_204 : vector<16xf32>
        %add3A_209 = arith.addf %add3A_207, %mul3A_208 : vector<16xf32>
        %max3A_210 = arith.constant 9.99999996E-13 : f32
        %max3A_211 = vector.broadcast %max3A_210 : f32 to vector<16xf32>
        %max3A_212 = arith.maximumf %add3A_209, %max3A_211 : vector<16xf32>
        %bitcast_convert_type3A_213 = tpu.bitcast %max3A_212 : vector<16xf32> -> vector<16xi32>
        %shift_right_arithmetic3A_214 = arith.constant 1 : i32
        %shift_right_arithmetic3A_215 = vector.broadcast %shift_right_arithmetic3A_214 : i32 to vector<16xi32>
        %shift_right_arithmetic3A_216 = arith.shrsi %bitcast_convert_type3A_213, %shift_right_arithmetic3A_215 : vector<16xi32>
        %sub3A_217 = arith.constant 1597463007 : i32
        %sub3A_218 = vector.broadcast %sub3A_217 : i32 to vector<16xi32>
        %sub3A_219 = arith.subi %sub3A_218, %shift_right_arithmetic3A_216 : vector<16xi32>
        %bitcast_convert_type3A_220 = tpu.bitcast %sub3A_219 : vector<16xi32> -> vector<16xf32>
        %mul3A_221 = arith.constant 5.000000e-01 : f32
        %mul3A_222 = vector.broadcast %mul3A_221 : f32 to vector<16xf32>
        %mul3A_223 = arith.mulf %mul3A_222, %max3A_212 : vector<16xf32>
        %mul3A_224 = arith.mulf %mul3A_223, %bitcast_convert_type3A_220 : vector<16xf32>
        %mul3A_225 = arith.mulf %mul3A_224, %bitcast_convert_type3A_220 : vector<16xf32>
        %sub3A_226 = arith.constant 1.500000e+00 : f32
        %sub3A_227 = vector.broadcast %sub3A_226 : f32 to vector<16xf32>
        %sub3A_228 = arith.subf %sub3A_227, %mul3A_225 : vector<16xf32>
        %mul3A_229 = arith.mulf %bitcast_convert_type3A_220, %sub3A_228 : vector<16xf32>
        %mul3A_230 = arith.mulf %mul3A_223, %mul3A_229 : vector<16xf32>
        %mul3A_231 = arith.mulf %mul3A_230, %mul3A_229 : vector<16xf32>
        %sub3A_232 = arith.constant 1.500000e+00 : f32
        %sub3A_233 = vector.broadcast %sub3A_232 : f32 to vector<16xf32>
        %sub3A_234 = arith.subf %sub3A_233, %mul3A_231 : vector<16xf32>
        %mul3A_235 = arith.mulf %mul3A_229, %sub3A_234 : vector<16xf32>
        %mul3A_236 = arith.mulf %max3A_212, %mul3A_235 : vector<16xf32>
        %add3A_237 = arith.constant 9.99999993E-9 : f32
        %add3A_238 = vector.broadcast %add3A_237 : f32 to vector<16xf32>
        %add3A_239 = arith.addf %mul3A_236, %add3A_238 : vector<16xf32>
        %sub3A_240 = arith.subi %get3A_199, %gather3A_59 : vector<16xi32>
        %sub3A_241 = arith.constant 1 : i32
        %sub3A_242 = vector.broadcast %sub3A_241 : i32 to vector<16xi32>
        %sub3A_243 = arith.subi %sub3A_240, %sub3A_242 : vector<16xi32>
        %jit3A_244 = arith.constant 0 : i32
        %jit3A_245 = arith.constant 5 : i32
        %max3A_246 = vector.broadcast %jit3A_244 : i32 to vector<16xi32>
        %max3A_247 = arith.maxsi %max3A_246, %sub3A_243 : vector<16xi32>
        %min3A_248 = vector.broadcast %jit3A_245 : i32 to vector<16xi32>
        %min3A_249 = arith.minsi %min3A_248, %max3A_247 : vector<16xi32>
        %convert_element_type3A_250 = arith.fptosi %add3A_239 : vector<16xf32> to vector<16xi32>
        %min3A_251 = arith.constant 19 : i32
        %min3A_252 = vector.broadcast %min3A_251 : i32 to vector<16xi32>
        %min3A_253 = arith.minsi %convert_element_type3A_250, %min3A_252 : vector<16xi32>
        %convert_element_type3A_254 = arith.sitofp %min3A_253 : vector<16xi32> to vector<16xf32>
        %sub3A_255 = arith.subf %add3A_239, %convert_element_type3A_254 : vector<16xf32>
        %mul3A_256 = arith.constant 1785 : i32
        %mul3A_257 = vector.broadcast %mul3A_256 : i32 to vector<16xi32>
        %mul3A_258 = arith.muli %min3A_249, %mul3A_257 : vector<16xi32>
        %add3A_259 = arith.addi %mul3A_258, %get3A_201 : vector<16xi32>
        %add3A_260 = arith.addi %add3A_259, %min3A_253 : vector<16xi32>
        %gather3A_261 = tpu.vector_load_idx %arg20[%add3A_260] : memref<10710xf32, #tpu.memory_space<vmem>>[vector<16xi32>], vector<16xf32>,
        %add3A_262 = arith.constant 1 : i32
        %add3A_263 = vector.broadcast %add3A_262 : i32 to vector<16xi32>
        %add3A_264 = arith.addi %add3A_260, %add3A_263 : vector<16xi32>
        %gather3A_265 = tpu.vector_load_idx %arg20[%add3A_264] : memref<10710xf32, #tpu.memory_space<vmem>>[vector<16xi32>], vector<16xf32>,
        %sub3A_266 = arith.subf %gather3A_265, %gather3A_261 : vector<16xf32>
        %mul3A_267 = arith.mulf %sub3A_255, %sub3A_266 : vector<16xf32>
        %add3A_268 = arith.addf %gather3A_261, %mul3A_267 : vector<16xf32>
        %sub3A_269 = arith.constant 2.700000e+00 : f32
        %sub3A_270 = vector.broadcast %sub3A_269 : f32 to vector<16xf32>
        %sub3A_271 = arith.subf %add3A_268, %sub3A_270 : vector<16xf32>
        %gt3A_272 = arith.constant 2 : i32
        %gt3A_273 = vector.broadcast %gt3A_272 : i32 to vector<16xi32>
        %gt3A_274 = arith.cmpi sgt, %sub3A_240, %gt3A_273 : vector<16xi32>
        %lt3A_275 = arith.constant 2.000000e+01 : f32
        %lt3A_276 = vector.broadcast %lt3A_275 : f32 to vector<16xf32>
        %lt3A_277 = arith.cmpf olt, %add3A_239, %lt3A_276 : vector<16xf32>
        %and3A_278 = arith.andi %gt3A_274, %lt3A_277 : vector<16xi1>
        %jit3A_279 = arith.constant 0.000000e+00 : f32
        %broadcast_in_dim3A_280 = vector.broadcast %jit3A_279 : f32 to vector<16xf32>
        %select_n3A_281 = arith.select %and3A_278, %sub3A_271, %broadcast_in_dim3A_280 : vector<16xi1>, vector<16xf32>
        %add3A_282 = arith.addf %add3A_189, %select_n3A_281 : vector<16xf32>
        %add3A_283 = arith.constant 32 : i32
        %add3A_284 = arith.addi %mul3A_103, %add3A_283 : i32
        %get3A_285 = arith.index_cast %add3A_284 : i32 to index
        %get3A_286 = tpu.vector_load %arg12[%get3A_285] {strides = array<i32>} : memref<4096xf32, #tpu.memory_space<vmem>>, vector<16xf32>,
        %get3A_287 = arith.index_cast %add3A_284 : i32 to index
        %get3A_288 = tpu.vector_load %arg13[%get3A_287] {strides = array<i32>} : memref<4096xf32, #tpu.memory_space<vmem>>, vector<16xf32>,
        %get3A_289 = arith.index_cast %add3A_284 : i32 to index
        %get3A_290 = tpu.vector_load %arg14[%get3A_289] {strides = array<i32>} : memref<4096xf32, #tpu.memory_space<vmem>>, vector<16xf32>,
        %get3A_291 = arith.index_cast %add3A_284 : i32 to index
        %get3A_292 = tpu.vector_load %arg17[%get3A_291] {strides = array<i32>} : memref<4096xi32, #tpu.memory_space<vmem>>, vector<16xi32>,
        %get3A_293 = arith.index_cast %add3A_284 : i32 to index
        %get3A_294 = tpu.vector_load %arg16[%get3A_293] {strides = array<i32>} : memref<4096xi32, #tpu.memory_space<vmem>>, vector<16xi32>,
        %sub3A_295 = arith.subf %gather3A_56, %get3A_286 : vector<16xf32>
        %sub3A_296 = arith.subf %gather3A_57, %get3A_288 : vector<16xf32>
        %sub3A_297 = arith.subf %gather3A_58, %get3A_290 : vector<16xf32>
        %mul3A_298 = arith.mulf %sub3A_295, %sub3A_295 : vector<16xf32>
        %mul3A_299 = arith.mulf %sub3A_296, %sub3A_296 : vector<16xf32>
        %add3A_300 = arith.addf %mul3A_298, %mul3A_299 : vector<16xf32>
        %mul3A_301 = arith.mulf %sub3A_297, %sub3A_297 : vector<16xf32>
        %add3A_302 = arith.addf %add3A_300, %mul3A_301 : vector<16xf32>
        %max3A_303 = arith.constant 9.99999996E-13 : f32
        %max3A_304 = vector.broadcast %max3A_303 : f32 to vector<16xf32>
        %max3A_305 = arith.maximumf %add3A_302, %max3A_304 : vector<16xf32>
        %bitcast_convert_type3A_306 = tpu.bitcast %max3A_305 : vector<16xf32> -> vector<16xi32>
        %shift_right_arithmetic3A_307 = arith.constant 1 : i32
        %shift_right_arithmetic3A_308 = vector.broadcast %shift_right_arithmetic3A_307 : i32 to vector<16xi32>
        %shift_right_arithmetic3A_309 = arith.shrsi %bitcast_convert_type3A_306, %shift_right_arithmetic3A_308 : vector<16xi32>
        %sub3A_310 = arith.constant 1597463007 : i32
        %sub3A_311 = vector.broadcast %sub3A_310 : i32 to vector<16xi32>
        %sub3A_312 = arith.subi %sub3A_311, %shift_right_arithmetic3A_309 : vector<16xi32>
        %bitcast_convert_type3A_313 = tpu.bitcast %sub3A_312 : vector<16xi32> -> vector<16xf32>
        %mul3A_314 = arith.constant 5.000000e-01 : f32
        %mul3A_315 = vector.broadcast %mul3A_314 : f32 to vector<16xf32>
        %mul3A_316 = arith.mulf %mul3A_315, %max3A_305 : vector<16xf32>
        %mul3A_317 = arith.mulf %mul3A_316, %bitcast_convert_type3A_313 : vector<16xf32>
        %mul3A_318 = arith.mulf %mul3A_317, %bitcast_convert_type3A_313 : vector<16xf32>
        %sub3A_319 = arith.constant 1.500000e+00 : f32
        %sub3A_320 = vector.broadcast %sub3A_319 : f32 to vector<16xf32>
        %sub3A_321 = arith.subf %sub3A_320, %mul3A_318 : vector<16xf32>
        %mul3A_322 = arith.mulf %bitcast_convert_type3A_313, %sub3A_321 : vector<16xf32>
        %mul3A_323 = arith.mulf %mul3A_316, %mul3A_322 : vector<16xf32>
        %mul3A_324 = arith.mulf %mul3A_323, %mul3A_322 : vector<16xf32>
        %sub3A_325 = arith.constant 1.500000e+00 : f32
        %sub3A_326 = vector.broadcast %sub3A_325 : f32 to vector<16xf32>
        %sub3A_327 = arith.subf %sub3A_326, %mul3A_324 : vector<16xf32>
        %mul3A_328 = arith.mulf %mul3A_322, %sub3A_327 : vector<16xf32>
        %mul3A_329 = arith.mulf %max3A_305, %mul3A_328 : vector<16xf32>
        %add3A_330 = arith.constant 9.99999993E-9 : f32
        %add3A_331 = vector.broadcast %add3A_330 : f32 to vector<16xf32>
        %add3A_332 = arith.addf %mul3A_329, %add3A_331 : vector<16xf32>
        %sub3A_333 = arith.subi %get3A_292, %gather3A_59 : vector<16xi32>
        %sub3A_334 = arith.constant 1 : i32
        %sub3A_335 = vector.broadcast %sub3A_334 : i32 to vector<16xi32>
        %sub3A_336 = arith.subi %sub3A_333, %sub3A_335 : vector<16xi32>
        %jit3A_337 = arith.constant 0 : i32
        %jit3A_338 = arith.constant 5 : i32
        %max3A_339 = vector.broadcast %jit3A_337 : i32 to vector<16xi32>
        %max3A_340 = arith.maxsi %max3A_339, %sub3A_336 : vector<16xi32>
        %min3A_341 = vector.broadcast %jit3A_338 : i32 to vector<16xi32>
        %min3A_342 = arith.minsi %min3A_341, %max3A_340 : vector<16xi32>
        %convert_element_type3A_343 = arith.fptosi %add3A_332 : vector<16xf32> to vector<16xi32>
        %min3A_344 = arith.constant 19 : i32
        %min3A_345 = vector.broadcast %min3A_344 : i32 to vector<16xi32>
        %min3A_346 = arith.minsi %convert_element_type3A_343, %min3A_345 : vector<16xi32>
        %convert_element_type3A_347 = arith.sitofp %min3A_346 : vector<16xi32> to vector<16xf32>
        %sub3A_348 = arith.subf %add3A_332, %convert_element_type3A_347 : vector<16xf32>
        %mul3A_349 = arith.constant 1785 : i32
        %mul3A_350 = vector.broadcast %mul3A_349 : i32 to vector<16xi32>
        %mul3A_351 = arith.muli %min3A_342, %mul3A_350 : vector<16xi32>
        %add3A_352 = arith.addi %mul3A_351, %get3A_294 : vector<16xi32>
        %add3A_353 = arith.addi %add3A_352, %min3A_346 : vector<16xi32>
        %gather3A_354 = tpu.vector_load_idx %arg20[%add3A_353] : memref<10710xf32, #tpu.memory_space<vmem>>[vector<16xi32>], vector<16xf32>,
        %add3A_355 = arith.constant 1 : i32
        %add3A_356 = vector.broadcast %add3A_355 : i32 to vector<16xi32>
        %add3A_357 = arith.addi %add3A_353, %add3A_356 : vector<16xi32>
        %gather3A_358 = tpu.vector_load_idx %arg20[%add3A_357] : memref<10710xf32, #tpu.memory_space<vmem>>[vector<16xi32>], vector<16xf32>,
        %sub3A_359 = arith.subf %gather3A_358, %gather3A_354 : vector<16xf32>
        %mul3A_360 = arith.mulf %sub3A_348, %sub3A_359 : vector<16xf32>
        %add3A_361 = arith.addf %gather3A_354, %mul3A_360 : vector<16xf32>
        %sub3A_362 = arith.constant 2.700000e+00 : f32
        %sub3A_363 = vector.broadcast %sub3A_362 : f32 to vector<16xf32>
        %sub3A_364 = arith.subf %add3A_361, %sub3A_363 : vector<16xf32>
        %gt3A_365 = arith.constant 2 : i32
        %gt3A_366 = vector.broadcast %gt3A_365 : i32 to vector<16xi32>
        %gt3A_367 = arith.cmpi sgt, %sub3A_333, %gt3A_366 : vector<16xi32>
        %lt3A_368 = arith.constant 2.000000e+01 : f32
        %lt3A_369 = vector.broadcast %lt3A_368 : f32 to vector<16xf32>
        %lt3A_370 = arith.cmpf olt, %add3A_332, %lt3A_369 : vector<16xf32>
        %and3A_371 = arith.andi %gt3A_367, %lt3A_370 : vector<16xi1>
        %jit3A_372 = arith.constant 0.000000e+00 : f32
        %broadcast_in_dim3A_373 = vector.broadcast %jit3A_372 : f32 to vector<16xf32>
        %select_n3A_374 = arith.select %and3A_371, %sub3A_364, %broadcast_in_dim3A_373 : vector<16xi1>, vector<16xf32>
        %add3A_375 = arith.addf %add3A_282, %select_n3A_374 : vector<16xf32>
        %add3A_376 = arith.constant 48 : i32
        %add3A_377 = arith.addi %mul3A_103, %add3A_376 : i32
        %get3A_378 = arith.index_cast %add3A_377 : i32 to index
        %get3A_379 = tpu.vector_load %arg12[%get3A_378] {strides = array<i32>} : memref<4096xf32, #tpu.memory_space<vmem>>, vector<16xf32>,
        %get3A_380 = arith.index_cast %add3A_377 : i32 to index
        %get3A_381 = tpu.vector_load %arg13[%get3A_380] {strides = array<i32>} : memref<4096xf32, #tpu.memory_space<vmem>>, vector<16xf32>,
        %get3A_382 = arith.index_cast %add3A_377 : i32 to index
        %get3A_383 = tpu.vector_load %arg14[%get3A_382] {strides = array<i32>} : memref<4096xf32, #tpu.memory_space<vmem>>, vector<16xf32>,
        %get3A_384 = arith.index_cast %add3A_377 : i32 to index
        %get3A_385 = tpu.vector_load %arg17[%get3A_384] {strides = array<i32>} : memref<4096xi32, #tpu.memory_space<vmem>>, vector<16xi32>,
        %get3A_386 = arith.index_cast %add3A_377 : i32 to index
        %get3A_387 = tpu.vector_load %arg16[%get3A_386] {strides = array<i32>} : memref<4096xi32, #tpu.memory_space<vmem>>, vector<16xi32>,
        %sub3A_388 = arith.subf %gather3A_56, %get3A_379 : vector<16xf32>
        %sub3A_389 = arith.subf %gather3A_57, %get3A_381 : vector<16xf32>
        %sub3A_390 = arith.subf %gather3A_58, %get3A_383 : vector<16xf32>
        %mul3A_391 = arith.mulf %sub3A_388, %sub3A_388 : vector<16xf32>
        %mul3A_392 = arith.mulf %sub3A_389, %sub3A_389 : vector<16xf32>
        %add3A_393 = arith.addf %mul3A_391, %mul3A_392 : vector<16xf32>
        %mul3A_394 = arith.mulf %sub3A_390, %sub3A_390 : vector<16xf32>
        %add3A_395 = arith.addf %add3A_393, %mul3A_394 : vector<16xf32>
        %max3A_396 = arith.constant 9.99999996E-13 : f32
        %max3A_397 = vector.broadcast %max3A_396 : f32 to vector<16xf32>
        %max3A_398 = arith.maximumf %add3A_395, %max3A_397 : vector<16xf32>
        %bitcast_convert_type3A_399 = tpu.bitcast %max3A_398 : vector<16xf32> -> vector<16xi32>
        %shift_right_arithmetic3A_400 = arith.constant 1 : i32
        %shift_right_arithmetic3A_401 = vector.broadcast %shift_right_arithmetic3A_400 : i32 to vector<16xi32>
        %shift_right_arithmetic3A_402 = arith.shrsi %bitcast_convert_type3A_399, %shift_right_arithmetic3A_401 : vector<16xi32>
        %sub3A_403 = arith.constant 1597463007 : i32
        %sub3A_404 = vector.broadcast %sub3A_403 : i32 to vector<16xi32>
        %sub3A_405 = arith.subi %sub3A_404, %shift_right_arithmetic3A_402 : vector<16xi32>
        %bitcast_convert_type3A_406 = tpu.bitcast %sub3A_405 : vector<16xi32> -> vector<16xf32>
        %mul3A_407 = arith.constant 5.000000e-01 : f32
        %mul3A_408 = vector.broadcast %mul3A_407 : f32 to vector<16xf32>
        %mul3A_409 = arith.mulf %mul3A_408, %max3A_398 : vector<16xf32>
        %mul3A_410 = arith.mulf %mul3A_409, %bitcast_convert_type3A_406 : vector<16xf32>
        %mul3A_411 = arith.mulf %mul3A_410, %bitcast_convert_type3A_406 : vector<16xf32>
        %sub3A_412 = arith.constant 1.500000e+00 : f32
        %sub3A_413 = vector.broadcast %sub3A_412 : f32 to vector<16xf32>
        %sub3A_414 = arith.subf %sub3A_413, %mul3A_411 : vector<16xf32>
        %mul3A_415 = arith.mulf %bitcast_convert_type3A_406, %sub3A_414 : vector<16xf32>
        %mul3A_416 = arith.mulf %mul3A_409, %mul3A_415 : vector<16xf32>
        %mul3A_417 = arith.mulf %mul3A_416, %mul3A_415 : vector<16xf32>
        %sub3A_418 = arith.constant 1.500000e+00 : f32
        %sub3A_419 = vector.broadcast %sub3A_418 : f32 to vector<16xf32>
        %sub3A_420 = arith.subf %sub3A_419, %mul3A_417 : vector<16xf32>
        %mul3A_421 = arith.mulf %mul3A_415, %sub3A_420 : vector<16xf32>
        %mul3A_422 = arith.mulf %max3A_398, %mul3A_421 : vector<16xf32>
        %add3A_423 = arith.constant 9.99999993E-9 : f32
        %add3A_424 = vector.broadcast %add3A_423 : f32 to vector<16xf32>
        %add3A_425 = arith.addf %mul3A_422, %add3A_424 : vector<16xf32>
        %sub3A_426 = arith.subi %get3A_385, %gather3A_59 : vector<16xi32>
        %sub3A_427 = arith.constant 1 : i32
        %sub3A_428 = vector.broadcast %sub3A_427 : i32 to vector<16xi32>
        %sub3A_429 = arith.subi %sub3A_426, %sub3A_428 : vector<16xi32>
        %jit3A_430 = arith.constant 0 : i32
        %jit3A_431 = arith.constant 5 : i32
        %max3A_432 = vector.broadcast %jit3A_430 : i32 to vector<16xi32>
        %max3A_433 = arith.maxsi %max3A_432, %sub3A_429 : vector<16xi32>
        %min3A_434 = vector.broadcast %jit3A_431 : i32 to vector<16xi32>
        %min3A_435 = arith.minsi %min3A_434, %max3A_433 : vector<16xi32>
        %convert_element_type3A_436 = arith.fptosi %add3A_425 : vector<16xf32> to vector<16xi32>
        %min3A_437 = arith.constant 19 : i32
        %min3A_438 = vector.broadcast %min3A_437 : i32 to vector<16xi32>
        %min3A_439 = arith.minsi %convert_element_type3A_436, %min3A_438 : vector<16xi32>
        %convert_element_type3A_440 = arith.sitofp %min3A_439 : vector<16xi32> to vector<16xf32>
        %sub3A_441 = arith.subf %add3A_425, %convert_element_type3A_440 : vector<16xf32>
        %mul3A_442 = arith.constant 1785 : i32
        %mul3A_443 = vector.broadcast %mul3A_442 : i32 to vector<16xi32>
        %mul3A_444 = arith.muli %min3A_435, %mul3A_443 : vector<16xi32>
        %add3A_445 = arith.addi %mul3A_444, %get3A_387 : vector<16xi32>
        %add3A_446 = arith.addi %add3A_445, %min3A_439 : vector<16xi32>
        %gather3A_447 = tpu.vector_load_idx %arg20[%add3A_446] : memref<10710xf32, #tpu.memory_space<vmem>>[vector<16xi32>], vector<16xf32>,
        %add3A_448 = arith.constant 1 : i32
        %add3A_449 = vector.broadcast %add3A_448 : i32 to vector<16xi32>
        %add3A_450 = arith.addi %add3A_446, %add3A_449 : vector<16xi32>
        %gather3A_451 = tpu.vector_load_idx %arg20[%add3A_450] : memref<10710xf32, #tpu.memory_space<vmem>>[vector<16xi32>], vector<16xf32>,
        %sub3A_452 = arith.subf %gather3A_451, %gather3A_447 : vector<16xf32>
        %mul3A_453 = arith.mulf %sub3A_441, %sub3A_452 : vector<16xf32>
        %add3A_454 = arith.addf %gather3A_447, %mul3A_453 : vector<16xf32>
        %sub3A_455 = arith.constant 2.700000e+00 : f32
        %sub3A_456 = vector.broadcast %sub3A_455 : f32 to vector<16xf32>
        %sub3A_457 = arith.subf %add3A_454, %sub3A_456 : vector<16xf32>
        %gt3A_458 = arith.constant 2 : i32
        %gt3A_459 = vector.broadcast %gt3A_458 : i32 to vector<16xi32>
        %gt3A_460 = arith.cmpi sgt, %sub3A_426, %gt3A_459 : vector<16xi32>
        %lt3A_461 = arith.constant 2.000000e+01 : f32
        %lt3A_462 = vector.broadcast %lt3A_461 : f32 to vector<16xf32>
        %lt3A_463 = arith.cmpf olt, %add3A_425, %lt3A_462 : vector<16xf32>
        %and3A_464 = arith.andi %gt3A_460, %lt3A_463 : vector<16xi1>
        %jit3A_465 = arith.constant 0.000000e+00 : f32
        %broadcast_in_dim3A_466 = vector.broadcast %jit3A_465 : f32 to vector<16xf32>
        %select_n3A_467 = arith.select %and3A_464, %sub3A_457, %broadcast_in_dim3A_466 : vector<16xi1>, vector<16xf32>
        %add3A_468 = arith.addf %add3A_375, %select_n3A_467 : vector<16xf32>
        scf.yield %add3A_468 : vector<16xf32>
      }
      %while3A_98 = arith.constant 1 : i32
      %while3A_99 = scf.for %while3A_100 = %while3A_95 to %while3A_91 step %while3A_98 iter_args(%while3A_101 = %while3A_97) -> (vector<16xf32>)  : i32 {
        %mul3A_102 = arith.constant 64 : i32
        %mul3A_103 = arith.muli %while3A_100, %mul3A_102 : i32
        %add3A_104 = arith.constant 0 : i32
        %add3A_105 = arith.addi %mul3A_103, %add3A_104 : i32
        %get3A = arith.index_cast %add3A_105 : i32 to index
        %get3A_106 = tpu.vector_load %arg12[%get3A] {strides = array<i32>} : memref<4096xf32, #tpu.memory_space<vmem>>, vector<16xf32>,
        %get3A_107 = arith.index_cast %add3A_105 : i32 to index
        %get3A_108 = tpu.vector_load %arg13[%get3A_107] {strides = array<i32>} : memref<4096xf32, #tpu.memory_space<vmem>>, vector<16xf32>,
        %get3A_109 = arith.index_cast %add3A_105 : i32 to index
        %get3A_110 = tpu.vector_load %arg14[%get3A_109] {strides = array<i32>} : memref<4096xf32, #tpu.memory_space<vmem>>, vector<16xf32>,
        %get3A_111 = arith.index_cast %add3A_105 : i32 to index
        %get3A_112 = tpu.vector_load %arg17[%get3A_111] {strides = array<i32>} : memref<4096xi32, #tpu.memory_space<vmem>>, vector<16xi32>,
        %get3A_113 = arith.index_cast %add3A_105 : i32 to index
        %get3A_114 = tpu.vector_load %arg16[%get3A_113] {strides = array<i32>} : memref<4096xi32, #tpu.memory_space<vmem>>, vector<16xi32>,
        %sub3A_115 = arith.subf %gather3A_56, %get3A_106 : vector<16xf32>
        %sub3A_116 = arith.subf %gather3A_57, %get3A_108 : vector<16xf32>
        %sub3A_117 = arith.subf %gather3A_58, %get3A_110 : vector<16xf32>
        %mul3A_118 = arith.mulf %sub3A_115, %sub3A_115 : vector<16xf32>
        %mul3A_119 = arith.mulf %sub3A_116, %sub3A_116 : vector<16xf32>
        %add3A_120 = arith.addf %mul3A_118, %mul3A_119 : vector<16xf32>
        %mul3A_121 = arith.mulf %sub3A_117, %sub3A_117 : vector<16xf32>
        %add3A_122 = arith.addf %add3A_120, %mul3A_121 : vector<16xf32>
        %max3A = arith.constant 9.99999996E-13 : f32
        %max3A_123 = vector.broadcast %max3A : f32 to vector<16xf32>
        %max3A_124 = arith.maximumf %add3A_122, %max3A_123 : vector<16xf32>
        %bitcast_convert_type3A = tpu.bitcast %max3A_124 : vector<16xf32> -> vector<16xi32>
        %shift_right_arithmetic3A = arith.constant 1 : i32
        %shift_right_arithmetic3A_125 = vector.broadcast %shift_right_arithmetic3A : i32 to vector<16xi32>
        %shift_right_arithmetic3A_126 = arith.shrsi %bitcast_convert_type3A, %shift_right_arithmetic3A_125 : vector<16xi32>
        %sub3A_127 = arith.constant 1597463007 : i32
        %sub3A_128 = vector.broadcast %sub3A_127 : i32 to vector<16xi32>
        %sub3A_129 = arith.subi %sub3A_128, %shift_right_arithmetic3A_126 : vector<16xi32>
        %bitcast_convert_type3A_130 = tpu.bitcast %sub3A_129 : vector<16xi32> -> vector<16xf32>
        %mul3A_131 = arith.constant 5.000000e-01 : f32
        %mul3A_132 = vector.broadcast %mul3A_131 : f32 to vector<16xf32>
        %mul3A_133 = arith.mulf %mul3A_132, %max3A_124 : vector<16xf32>
        %mul3A_134 = arith.mulf %mul3A_133, %bitcast_convert_type3A_130 : vector<16xf32>
        %mul3A_135 = arith.mulf %mul3A_134, %bitcast_convert_type3A_130 : vector<16xf32>
        %sub3A_136 = arith.constant 1.500000e+00 : f32
        %sub3A_137 = vector.broadcast %sub3A_136 : f32 to vector<16xf32>
        %sub3A_138 = arith.subf %sub3A_137, %mul3A_135 : vector<16xf32>
        %mul3A_139 = arith.mulf %bitcast_convert_type3A_130, %sub3A_138 : vector<16xf32>
        %mul3A_140 = arith.mulf %mul3A_133, %mul3A_139 : vector<16xf32>
        %mul3A_141 = arith.mulf %mul3A_140, %mul3A_139 : vector<16xf32>
        %sub3A_142 = arith.constant 1.500000e+00 : f32
        %sub3A_143 = vector.broadcast %sub3A_142 : f32 to vector<16xf32>
        %sub3A_144 = arith.subf %sub3A_143, %mul3A_141 : vector<16xf32>
        %mul3A_145 = arith.mulf %mul3A_139, %sub3A_144 : vector<16xf32>
        %mul3A_146 = arith.mulf %max3A_124, %mul3A_145 : vector<16xf32>
        %add3A_147 = arith.constant 9.99999993E-9 : f32
        %add3A_148 = vector.broadcast %add3A_147 : f32 to vector<16xf32>
        %add3A_149 = arith.addf %mul3A_146, %add3A_148 : vector<16xf32>
        %sub3A_150 = arith.subi %get3A_112, %gather3A_59 : vector<16xi32>
        %sub3A_151 = arith.constant 1 : i32
        %sub3A_152 = vector.broadcast %sub3A_151 : i32 to vector<16xi32>
        %sub3A_153 = arith.subi %sub3A_150, %sub3A_152 : vector<16xi32>
        %jit3A_154 = arith.constant 0 : i32
        %jit3A_155 = arith.constant 5 : i32
        %max3A_156 = vector.broadcast %jit3A_154 : i32 to vector<16xi32>
        %max3A_157 = arith.maxsi %max3A_156, %sub3A_153 : vector<16xi32>
        %min3A = vector.broadcast %jit3A_155 : i32 to vector<16xi32>
        %min3A_158 = arith.minsi %min3A, %max3A_157 : vector<16xi32>
        %convert_element_type3A_159 = arith.fptosi %add3A_149 : vector<16xf32> to vector<16xi32>
        %min3A_160 = arith.constant 19 : i32
        %min3A_161 = vector.broadcast %min3A_160 : i32 to vector<16xi32>
        %min3A_162 = arith.minsi %convert_element_type3A_159, %min3A_161 : vector<16xi32>
        %convert_element_type3A_163 = arith.sitofp %min3A_162 : vector<16xi32> to vector<16xf32>
        %sub3A_164 = arith.subf %add3A_149, %convert_element_type3A_163 : vector<16xf32>
        %mul3A_165 = arith.constant 1785 : i32
        %mul3A_166 = vector.broadcast %mul3A_165 : i32 to vector<16xi32>
        %mul3A_167 = arith.muli %min3A_158, %mul3A_166 : vector<16xi32>
        %add3A_168 = arith.addi %mul3A_167, %get3A_114 : vector<16xi32>
        %add3A_169 = arith.addi %add3A_168, %min3A_162 : vector<16xi32>
        %gather3A_170 = tpu.vector_load_idx %arg20[%add3A_169] : memref<10710xf32, #tpu.memory_space<vmem>>[vector<16xi32>], vector<16xf32>,
        %add3A_171 = arith.constant 1 : i32
        %add3A_172 = vector.broadcast %add3A_171 : i32 to vector<16xi32>
        %add3A_173 = arith.addi %add3A_169, %add3A_172 : vector<16xi32>
        %gather3A_174 = tpu.vector_load_idx %arg20[%add3A_173] : memref<10710xf32, #tpu.memory_space<vmem>>[vector<16xi32>], vector<16xf32>,
        %sub3A_175 = arith.subf %gather3A_174, %gather3A_170 : vector<16xf32>
        %mul3A_176 = arith.mulf %sub3A_164, %sub3A_175 : vector<16xf32>
        %add3A_177 = arith.addf %gather3A_170, %mul3A_176 : vector<16xf32>
        %sub3A_178 = arith.constant 2.700000e+00 : f32
        %sub3A_179 = vector.broadcast %sub3A_178 : f32 to vector<16xf32>
        %sub3A_180 = arith.subf %add3A_177, %sub3A_179 : vector<16xf32>
        %gt3A = arith.constant 2 : i32
        %gt3A_181 = vector.broadcast %gt3A : i32 to vector<16xi32>
        %gt3A_182 = arith.cmpi sgt, %sub3A_150, %gt3A_181 : vector<16xi32>
        %lt3A = arith.constant 2.000000e+01 : f32
        %lt3A_183 = vector.broadcast %lt3A : f32 to vector<16xf32>
        %lt3A_184 = arith.cmpf olt, %add3A_149, %lt3A_183 : vector<16xf32>
        %and3A_185 = arith.andi %gt3A_182, %lt3A_184 : vector<16xi1>
        %jit3A_186 = arith.constant 0.000000e+00 : f32
        %broadcast_in_dim3A_187 = vector.broadcast %jit3A_186 : f32 to vector<16xf32>
        %select_n3A_188 = arith.select %and3A_185, %sub3A_180, %broadcast_in_dim3A_187 : vector<16xi1>, vector<16xf32>
        %add3A_189 = arith.addf %while3A_101, %select_n3A_188 : vector<16xf32>
        %add3A_190 = arith.constant 16 : i32
        %add3A_191 = arith.addi %mul3A_103, %add3A_190 : i32
        %get3A_192 = arith.index_cast %add3A_191 : i32 to index
        %get3A_193 = tpu.vector_load %arg12[%get3A_192] {strides = array<i32>} : memref<4096xf32, #tpu.memory_space<vmem>>, vector<16xf32>,
        %get3A_194 = arith.index_cast %add3A_191 : i32 to index
        %get3A_195 = tpu.vector_load %arg13[%get3A_194] {strides = array<i32>} : memref<4096xf32, #tpu.memory_space<vmem>>, vector<16xf32>,
        %get3A_196 = arith.index_cast %add3A_191 : i32 to index
        %get3A_197 = tpu.vector_load %arg14[%get3A_196] {strides = array<i32>} : memref<4096xf32, #tpu.memory_space<vmem>>, vector<16xf32>,
        %get3A_198 = arith.index_cast %add3A_191 : i32 to index
        %get3A_199 = tpu.vector_load %arg17[%get3A_198] {strides = array<i32>} : memref<4096xi32, #tpu.memory_space<vmem>>, vector<16xi32>,
        %get3A_200 = arith.index_cast %add3A_191 : i32 to index
        %get3A_201 = tpu.vector_load %arg16[%get3A_200] {strides = array<i32>} : memref<4096xi32, #tpu.memory_space<vmem>>, vector<16xi32>,
        %sub3A_202 = arith.subf %gather3A_56, %get3A_193 : vector<16xf32>
        %sub3A_203 = arith.subf %gather3A_57, %get3A_195 : vector<16xf32>
        %sub3A_204 = arith.subf %gather3A_58, %get3A_197 : vector<16xf32>
        %mul3A_205 = arith.mulf %sub3A_202, %sub3A_202 : vector<16xf32>
        %mul3A_206 = arith.mulf %sub3A_203, %sub3A_203 : vector<16xf32>
        %add3A_207 = arith.addf %mul3A_205, %mul3A_206 : vector<16xf32>
        %mul3A_208 = arith.mulf %sub3A_204, %sub3A_204 : vector<16xf32>
        %add3A_209 = arith.addf %add3A_207, %mul3A_208 : vector<16xf32>
        %max3A_210 = arith.constant 9.99999996E-13 : f32
        %max3A_211 = vector.broadcast %max3A_210 : f32 to vector<16xf32>
        %max3A_212 = arith.maximumf %add3A_209, %max3A_211 : vector<16xf32>
        %bitcast_convert_type3A_213 = tpu.bitcast %max3A_212 : vector<16xf32> -> vector<16xi32>
        %shift_right_arithmetic3A_214 = arith.constant 1 : i32
        %shift_right_arithmetic3A_215 = vector.broadcast %shift_right_arithmetic3A_214 : i32 to vector<16xi32>
        %shift_right_arithmetic3A_216 = arith.shrsi %bitcast_convert_type3A_213, %shift_right_arithmetic3A_215 : vector<16xi32>
        %sub3A_217 = arith.constant 1597463007 : i32
        %sub3A_218 = vector.broadcast %sub3A_217 : i32 to vector<16xi32>
        %sub3A_219 = arith.subi %sub3A_218, %shift_right_arithmetic3A_216 : vector<16xi32>
        %bitcast_convert_type3A_220 = tpu.bitcast %sub3A_219 : vector<16xi32> -> vector<16xf32>
        %mul3A_221 = arith.constant 5.000000e-01 : f32
        %mul3A_222 = vector.broadcast %mul3A_221 : f32 to vector<16xf32>
        %mul3A_223 = arith.mulf %mul3A_222, %max3A_212 : vector<16xf32>
        %mul3A_224 = arith.mulf %mul3A_223, %bitcast_convert_type3A_220 : vector<16xf32>
        %mul3A_225 = arith.mulf %mul3A_224, %bitcast_convert_type3A_220 : vector<16xf32>
        %sub3A_226 = arith.constant 1.500000e+00 : f32
        %sub3A_227 = vector.broadcast %sub3A_226 : f32 to vector<16xf32>
        %sub3A_228 = arith.subf %sub3A_227, %mul3A_225 : vector<16xf32>
        %mul3A_229 = arith.mulf %bitcast_convert_type3A_220, %sub3A_228 : vector<16xf32>
        %mul3A_230 = arith.mulf %mul3A_223, %mul3A_229 : vector<16xf32>
        %mul3A_231 = arith.mulf %mul3A_230, %mul3A_229 : vector<16xf32>
        %sub3A_232 = arith.constant 1.500000e+00 : f32
        %sub3A_233 = vector.broadcast %sub3A_232 : f32 to vector<16xf32>
        %sub3A_234 = arith.subf %sub3A_233, %mul3A_231 : vector<16xf32>
        %mul3A_235 = arith.mulf %mul3A_229, %sub3A_234 : vector<16xf32>
        %mul3A_236 = arith.mulf %max3A_212, %mul3A_235 : vector<16xf32>
        %add3A_237 = arith.constant 9.99999993E-9 : f32
        %add3A_238 = vector.broadcast %add3A_237 : f32 to vector<16xf32>
        %add3A_239 = arith.addf %mul3A_236, %add3A_238 : vector<16xf32>
        %sub3A_240 = arith.subi %get3A_199, %gather3A_59 : vector<16xi32>
        %sub3A_241 = arith.constant 1 : i32
        %sub3A_242 = vector.broadcast %sub3A_241 : i32 to vector<16xi32>
        %sub3A_243 = arith.subi %sub3A_240, %sub3A_242 : vector<16xi32>
        %jit3A_244 = arith.constant 0 : i32
        %jit3A_245 = arith.constant 5 : i32
        %max3A_246 = vector.broadcast %jit3A_244 : i32 to vector<16xi32>
        %max3A_247 = arith.maxsi %max3A_246, %sub3A_243 : vector<16xi32>
        %min3A_248 = vector.broadcast %jit3A_245 : i32 to vector<16xi32>
        %min3A_249 = arith.minsi %min3A_248, %max3A_247 : vector<16xi32>
        %convert_element_type3A_250 = arith.fptosi %add3A_239 : vector<16xf32> to vector<16xi32>
        %min3A_251 = arith.constant 19 : i32
        %min3A_252 = vector.broadcast %min3A_251 : i32 to vector<16xi32>
        %min3A_253 = arith.minsi %convert_element_type3A_250, %min3A_252 : vector<16xi32>
        %convert_element_type3A_254 = arith.sitofp %min3A_253 : vector<16xi32> to vector<16xf32>
        %sub3A_255 = arith.subf %add3A_239, %convert_element_type3A_254 : vector<16xf32>
        %mul3A_256 = arith.constant 1785 : i32
        %mul3A_257 = vector.broadcast %mul3A_256 : i32 to vector<16xi32>
        %mul3A_258 = arith.muli %min3A_249, %mul3A_257 : vector<16xi32>
        %add3A_259 = arith.addi %mul3A_258, %get3A_201 : vector<16xi32>
        %add3A_260 = arith.addi %add3A_259, %min3A_253 : vector<16xi32>
        %gather3A_261 = tpu.vector_load_idx %arg20[%add3A_260] : memref<10710xf32, #tpu.memory_space<vmem>>[vector<16xi32>], vector<16xf32>,
        %add3A_262 = arith.constant 1 : i32
        %add3A_263 = vector.broadcast %add3A_262 : i32 to vector<16xi32>
        %add3A_264 = arith.addi %add3A_260, %add3A_263 : vector<16xi32>
        %gather3A_265 = tpu.vector_load_idx %arg20[%add3A_264] : memref<10710xf32, #tpu.memory_space<vmem>>[vector<16xi32>], vector<16xf32>,
        %sub3A_266 = arith.subf %gather3A_265, %gather3A_261 : vector<16xf32>
        %mul3A_267 = arith.mulf %sub3A_255, %sub3A_266 : vector<16xf32>
        %add3A_268 = arith.addf %gather3A_261, %mul3A_267 : vector<16xf32>
        %sub3A_269 = arith.constant 2.700000e+00 : f32
        %sub3A_270 = vector.broadcast %sub3A_269 : f32 to vector<16xf32>
        %sub3A_271 = arith.subf %add3A_268, %sub3A_270 : vector<16xf32>
        %gt3A_272 = arith.constant 2 : i32
        %gt3A_273 = vector.broadcast %gt3A_272 : i32 to vector<16xi32>
        %gt3A_274 = arith.cmpi sgt, %sub3A_240, %gt3A_273 : vector<16xi32>
        %lt3A_275 = arith.constant 2.000000e+01 : f32
        %lt3A_276 = vector.broadcast %lt3A_275 : f32 to vector<16xf32>
        %lt3A_277 = arith.cmpf olt, %add3A_239, %lt3A_276 : vector<16xf32>
        %and3A_278 = arith.andi %gt3A_274, %lt3A_277 : vector<16xi1>
        %jit3A_279 = arith.constant 0.000000e+00 : f32
        %broadcast_in_dim3A_280 = vector.broadcast %jit3A_279 : f32 to vector<16xf32>
        %select_n3A_281 = arith.select %and3A_278, %sub3A_271, %broadcast_in_dim3A_280 : vector<16xi1>, vector<16xf32>
        %add3A_282 = arith.addf %add3A_189, %select_n3A_281 : vector<16xf32>
        %add3A_283 = arith.constant 32 : i32
        %add3A_284 = arith.addi %mul3A_103, %add3A_283 : i32
        %get3A_285 = arith.index_cast %add3A_284 : i32 to index
        %get3A_286 = tpu.vector_load %arg12[%get3A_285] {strides = array<i32>} : memref<4096xf32, #tpu.memory_space<vmem>>, vector<16xf32>,
        %get3A_287 = arith.index_cast %add3A_284 : i32 to index
        %get3A_288 = tpu.vector_load %arg13[%get3A_287] {strides = array<i32>} : memref<4096xf32, #tpu.memory_space<vmem>>, vector<16xf32>,
        %get3A_289 = arith.index_cast %add3A_284 : i32 to index
        %get3A_290 = tpu.vector_load %arg14[%get3A_289] {strides = array<i32>} : memref<4096xf32, #tpu.memory_space<vmem>>, vector<16xf32>,
        %get3A_291 = arith.index_cast %add3A_284 : i32 to index
        %get3A_292 = tpu.vector_load %arg17[%get3A_291] {strides = array<i32>} : memref<4096xi32, #tpu.memory_space<vmem>>, vector<16xi32>,
        %get3A_293 = arith.index_cast %add3A_284 : i32 to index
        %get3A_294 = tpu.vector_load %arg16[%get3A_293] {strides = array<i32>} : memref<4096xi32, #tpu.memory_space<vmem>>, vector<16xi32>,
        %sub3A_295 = arith.subf %gather3A_56, %get3A_286 : vector<16xf32>
        %sub3A_296 = arith.subf %gather3A_57, %get3A_288 : vector<16xf32>
        %sub3A_297 = arith.subf %gather3A_58, %get3A_290 : vector<16xf32>
        %mul3A_298 = arith.mulf %sub3A_295, %sub3A_295 : vector<16xf32>
        %mul3A_299 = arith.mulf %sub3A_296, %sub3A_296 : vector<16xf32>
        %add3A_300 = arith.addf %mul3A_298, %mul3A_299 : vector<16xf32>
        %mul3A_301 = arith.mulf %sub3A_297, %sub3A_297 : vector<16xf32>
        %add3A_302 = arith.addf %add3A_300, %mul3A_301 : vector<16xf32>
        %max3A_303 = arith.constant 9.99999996E-13 : f32
        %max3A_304 = vector.broadcast %max3A_303 : f32 to vector<16xf32>
        %max3A_305 = arith.maximumf %add3A_302, %max3A_304 : vector<16xf32>
        %bitcast_convert_type3A_306 = tpu.bitcast %max3A_305 : vector<16xf32> -> vector<16xi32>
        %shift_right_arithmetic3A_307 = arith.constant 1 : i32
        %shift_right_arithmetic3A_308 = vector.broadcast %shift_right_arithmetic3A_307 : i32 to vector<16xi32>
        %shift_right_arithmetic3A_309 = arith.shrsi %bitcast_convert_type3A_306, %shift_right_arithmetic3A_308 : vector<16xi32>
        %sub3A_310 = arith.constant 1597463007 : i32
        %sub3A_311 = vector.broadcast %sub3A_310 : i32 to vector<16xi32>
        %sub3A_312 = arith.subi %sub3A_311, %shift_right_arithmetic3A_309 : vector<16xi32>
        %bitcast_convert_type3A_313 = tpu.bitcast %sub3A_312 : vector<16xi32> -> vector<16xf32>
        %mul3A_314 = arith.constant 5.000000e-01 : f32
        %mul3A_315 = vector.broadcast %mul3A_314 : f32 to vector<16xf32>
        %mul3A_316 = arith.mulf %mul3A_315, %max3A_305 : vector<16xf32>
        %mul3A_317 = arith.mulf %mul3A_316, %bitcast_convert_type3A_313 : vector<16xf32>
        %mul3A_318 = arith.mulf %mul3A_317, %bitcast_convert_type3A_313 : vector<16xf32>
        %sub3A_319 = arith.constant 1.500000e+00 : f32
        %sub3A_320 = vector.broadcast %sub3A_319 : f32 to vector<16xf32>
        %sub3A_321 = arith.subf %sub3A_320, %mul3A_318 : vector<16xf32>
        %mul3A_322 = arith.mulf %bitcast_convert_type3A_313, %sub3A_321 : vector<16xf32>
        %mul3A_323 = arith.mulf %mul3A_316, %mul3A_322 : vector<16xf32>
        %mul3A_324 = arith.mulf %mul3A_323, %mul3A_322 : vector<16xf32>
        %sub3A_325 = arith.constant 1.500000e+00 : f32
        %sub3A_326 = vector.broadcast %sub3A_325 : f32 to vector<16xf32>
        %sub3A_327 = arith.subf %sub3A_326, %mul3A_324 : vector<16xf32>
        %mul3A_328 = arith.mulf %mul3A_322, %sub3A_327 : vector<16xf32>
        %mul3A_329 = arith.mulf %max3A_305, %mul3A_328 : vector<16xf32>
        %add3A_330 = arith.constant 9.99999993E-9 : f32
        %add3A_331 = vector.broadcast %add3A_330 : f32 to vector<16xf32>
        %add3A_332 = arith.addf %mul3A_329, %add3A_331 : vector<16xf32>
        %sub3A_333 = arith.subi %get3A_292, %gather3A_59 : vector<16xi32>
        %sub3A_334 = arith.constant 1 : i32
        %sub3A_335 = vector.broadcast %sub3A_334 : i32 to vector<16xi32>
        %sub3A_336 = arith.subi %sub3A_333, %sub3A_335 : vector<16xi32>
        %jit3A_337 = arith.constant 0 : i32
        %jit3A_338 = arith.constant 5 : i32
        %max3A_339 = vector.broadcast %jit3A_337 : i32 to vector<16xi32>
        %max3A_340 = arith.maxsi %max3A_339, %sub3A_336 : vector<16xi32>
        %min3A_341 = vector.broadcast %jit3A_338 : i32 to vector<16xi32>
        %min3A_342 = arith.minsi %min3A_341, %max3A_340 : vector<16xi32>
        %convert_element_type3A_343 = arith.fptosi %add3A_332 : vector<16xf32> to vector<16xi32>
        %min3A_344 = arith.constant 19 : i32
        %min3A_345 = vector.broadcast %min3A_344 : i32 to vector<16xi32>
        %min3A_346 = arith.minsi %convert_element_type3A_343, %min3A_345 : vector<16xi32>
        %convert_element_type3A_347 = arith.sitofp %min3A_346 : vector<16xi32> to vector<16xf32>
        %sub3A_348 = arith.subf %add3A_332, %convert_element_type3A_347 : vector<16xf32>
        %mul3A_349 = arith.constant 1785 : i32
        %mul3A_350 = vector.broadcast %mul3A_349 : i32 to vector<16xi32>
        %mul3A_351 = arith.muli %min3A_342, %mul3A_350 : vector<16xi32>
        %add3A_352 = arith.addi %mul3A_351, %get3A_294 : vector<16xi32>
        %add3A_353 = arith.addi %add3A_352, %min3A_346 : vector<16xi32>
        %gather3A_354 = tpu.vector_load_idx %arg20[%add3A_353] : memref<10710xf32, #tpu.memory_space<vmem>>[vector<16xi32>], vector<16xf32>,
        %add3A_355 = arith.constant 1 : i32
        %add3A_356 = vector.broadcast %add3A_355 : i32 to vector<16xi32>
        %add3A_357 = arith.addi %add3A_353, %add3A_356 : vector<16xi32>
        %gather3A_358 = tpu.vector_load_idx %arg20[%add3A_357] : memref<10710xf32, #tpu.memory_space<vmem>>[vector<16xi32>], vector<16xf32>,
        %sub3A_359 = arith.subf %gather3A_358, %gather3A_354 : vector<16xf32>
        %mul3A_360 = arith.mulf %sub3A_348, %sub3A_359 : vector<16xf32>
        %add3A_361 = arith.addf %gather3A_354, %mul3A_360 : vector<16xf32>
        %sub3A_362 = arith.constant 2.700000e+00 : f32
        %sub3A_363 = vector.broadcast %sub3A_362 : f32 to vector<16xf32>
        %sub3A_364 = arith.subf %add3A_361, %sub3A_363 : vector<16xf32>
        %gt3A_365 = arith.constant 2 : i32
        %gt3A_366 = vector.broadcast %gt3A_365 : i32 to vector<16xi32>
        %gt3A_367 = arith.cmpi sgt, %sub3A_333, %gt3A_366 : vector<16xi32>
        %lt3A_368 = arith.constant 2.000000e+01 : f32
        %lt3A_369 = vector.broadcast %lt3A_368 : f32 to vector<16xf32>
        %lt3A_370 = arith.cmpf olt, %add3A_332, %lt3A_369 : vector<16xf32>
        %and3A_371 = arith.andi %gt3A_367, %lt3A_370 : vector<16xi1>
        %jit3A_372 = arith.constant 0.000000e+00 : f32
        %broadcast_in_dim3A_373 = vector.broadcast %jit3A_372 : f32 to vector<16xf32>
        %select_n3A_374 = arith.select %and3A_371, %sub3A_364, %broadcast_in_dim3A_373 : vector<16xi1>, vector<16xf32>
        %add3A_375 = arith.addf %add3A_282, %select_n3A_374 : vector<16xf32>
        %add3A_376 = arith.constant 48 : i32
        %add3A_377 = arith.addi %mul3A_103, %add3A_376 : i32
        %get3A_378 = arith.index_cast %add3A_377 : i32 to index
        %get3A_379 = tpu.vector_load %arg12[%get3A_378] {strides = array<i32>} : memref<4096xf32, #tpu.memory_space<vmem>>, vector<16xf32>,
        %get3A_380 = arith.index_cast %add3A_377 : i32 to index
        %get3A_381 = tpu.vector_load %arg13[%get3A_380] {strides = array<i32>} : memref<4096xf32, #tpu.memory_space<vmem>>, vector<16xf32>,
        %get3A_382 = arith.index_cast %add3A_377 : i32 to index
        %get3A_383 = tpu.vector_load %arg14[%get3A_382] {strides = array<i32>} : memref<4096xf32, #tpu.memory_space<vmem>>, vector<16xf32>,
        %get3A_384 = arith.index_cast %add3A_377 : i32 to index
        %get3A_385 = tpu.vector_load %arg17[%get3A_384] {strides = array<i32>} : memref<4096xi32, #tpu.memory_space<vmem>>, vector<16xi32>,
        %get3A_386 = arith.index_cast %add3A_377 : i32 to index
        %get3A_387 = tpu.vector_load %arg16[%get3A_386] {strides = array<i32>} : memref<4096xi32, #tpu.memory_space<vmem>>, vector<16xi32>,
        %sub3A_388 = arith.subf %gather3A_56, %get3A_379 : vector<16xf32>
        %sub3A_389 = arith.subf %gather3A_57, %get3A_381 : vector<16xf32>
        %sub3A_390 = arith.subf %gather3A_58, %get3A_383 : vector<16xf32>
        %mul3A_391 = arith.mulf %sub3A_388, %sub3A_388 : vector<16xf32>
        %mul3A_392 = arith.mulf %sub3A_389, %sub3A_389 : vector<16xf32>
        %add3A_393 = arith.addf %mul3A_391, %mul3A_392 : vector<16xf32>
        %mul3A_394 = arith.mulf %sub3A_390, %sub3A_390 : vector<16xf32>
        %add3A_395 = arith.addf %add3A_393, %mul3A_394 : vector<16xf32>
        %max3A_396 = arith.constant 9.99999996E-13 : f32
        %max3A_397 = vector.broadcast %max3A_396 : f32 to vector<16xf32>
        %max3A_398 = arith.maximumf %add3A_395, %max3A_397 : vector<16xf32>
        %bitcast_convert_type3A_399 = tpu.bitcast %max3A_398 : vector<16xf32> -> vector<16xi32>
        %shift_right_arithmetic3A_400 = arith.constant 1 : i32
        %shift_right_arithmetic3A_401 = vector.broadcast %shift_right_arithmetic3A_400 : i32 to vector<16xi32>
        %shift_right_arithmetic3A_402 = arith.shrsi %bitcast_convert_type3A_399, %shift_right_arithmetic3A_401 : vector<16xi32>
        %sub3A_403 = arith.constant 1597463007 : i32
        %sub3A_404 = vector.broadcast %sub3A_403 : i32 to vector<16xi32>
        %sub3A_405 = arith.subi %sub3A_404, %shift_right_arithmetic3A_402 : vector<16xi32>
        %bitcast_convert_type3A_406 = tpu.bitcast %sub3A_405 : vector<16xi32> -> vector<16xf32>
        %mul3A_407 = arith.constant 5.000000e-01 : f32
        %mul3A_408 = vector.broadcast %mul3A_407 : f32 to vector<16xf32>
        %mul3A_409 = arith.mulf %mul3A_408, %max3A_398 : vector<16xf32>
        %mul3A_410 = arith.mulf %mul3A_409, %bitcast_convert_type3A_406 : vector<16xf32>
        %mul3A_411 = arith.mulf %mul3A_410, %bitcast_convert_type3A_406 : vector<16xf32>
        %sub3A_412 = arith.constant 1.500000e+00 : f32
        %sub3A_413 = vector.broadcast %sub3A_412 : f32 to vector<16xf32>
        %sub3A_414 = arith.subf %sub3A_413, %mul3A_411 : vector<16xf32>
        %mul3A_415 = arith.mulf %bitcast_convert_type3A_406, %sub3A_414 : vector<16xf32>
        %mul3A_416 = arith.mulf %mul3A_409, %mul3A_415 : vector<16xf32>
        %mul3A_417 = arith.mulf %mul3A_416, %mul3A_415 : vector<16xf32>
        %sub3A_418 = arith.constant 1.500000e+00 : f32
        %sub3A_419 = vector.broadcast %sub3A_418 : f32 to vector<16xf32>
        %sub3A_420 = arith.subf %sub3A_419, %mul3A_417 : vector<16xf32>
        %mul3A_421 = arith.mulf %mul3A_415, %sub3A_420 : vector<16xf32>
        %mul3A_422 = arith.mulf %max3A_398, %mul3A_421 : vector<16xf32>
        %add3A_423 = arith.constant 9.99999993E-9 : f32
        %add3A_424 = vector.broadcast %add3A_423 : f32 to vector<16xf32>
        %add3A_425 = arith.addf %mul3A_422, %add3A_424 : vector<16xf32>
        %sub3A_426 = arith.subi %get3A_385, %gather3A_59 : vector<16xi32>
        %sub3A_427 = arith.constant 1 : i32
        %sub3A_428 = vector.broadcast %sub3A_427 : i32 to vector<16xi32>
        %sub3A_429 = arith.subi %sub3A_426, %sub3A_428 : vector<16xi32>
        %jit3A_430 = arith.constant 0 : i32
        %jit3A_431 = arith.constant 5 : i32
        %max3A_432 = vector.broadcast %jit3A_430 : i32 to vector<16xi32>
        %max3A_433 = arith.maxsi %max3A_432, %sub3A_429 : vector<16xi32>
        %min3A_434 = vector.broadcast %jit3A_431 : i32 to vector<16xi32>
        %min3A_435 = arith.minsi %min3A_434, %max3A_433 : vector<16xi32>
        %convert_element_type3A_436 = arith.fptosi %add3A_425 : vector<16xf32> to vector<16xi32>
        %min3A_437 = arith.constant 19 : i32
        %min3A_438 = vector.broadcast %min3A_437 : i32 to vector<16xi32>
        %min3A_439 = arith.minsi %convert_element_type3A_436, %min3A_438 : vector<16xi32>
        %convert_element_type3A_440 = arith.sitofp %min3A_439 : vector<16xi32> to vector<16xf32>
        %sub3A_441 = arith.subf %add3A_425, %convert_element_type3A_440 : vector<16xf32>
        %mul3A_442 = arith.constant 1785 : i32
        %mul3A_443 = vector.broadcast %mul3A_442 : i32 to vector<16xi32>
        %mul3A_444 = arith.muli %min3A_435, %mul3A_443 : vector<16xi32>
        %add3A_445 = arith.addi %mul3A_444, %get3A_387 : vector<16xi32>
        %add3A_446 = arith.addi %add3A_445, %min3A_439 : vector<16xi32>
        %gather3A_447 = tpu.vector_load_idx %arg20[%add3A_446] : memref<10710xf32, #tpu.memory_space<vmem>>[vector<16xi32>], vector<16xf32>,
        %add3A_448 = arith.constant 1 : i32
        %add3A_449 = vector.broadcast %add3A_448 : i32 to vector<16xi32>
        %add3A_450 = arith.addi %add3A_446, %add3A_449 : vector<16xi32>
        %gather3A_451 = tpu.vector_load_idx %arg20[%add3A_450] : memref<10710xf32, #tpu.memory_space<vmem>>[vector<16xi32>], vector<16xf32>,
        %sub3A_452 = arith.subf %gather3A_451, %gather3A_447 : vector<16xf32>
        %mul3A_453 = arith.mulf %sub3A_441, %sub3A_452 : vector<16xf32>
        %add3A_454 = arith.addf %gather3A_447, %mul3A_453 : vector<16xf32>
        %sub3A_455 = arith.constant 2.700000e+00 : f32
        %sub3A_456 = vector.broadcast %sub3A_455 : f32 to vector<16xf32>
        %sub3A_457 = arith.subf %add3A_454, %sub3A_456 : vector<16xf32>
        %gt3A_458 = arith.constant 2 : i32
        %gt3A_459 = vector.broadcast %gt3A_458 : i32 to vector<16xi32>
        %gt3A_460 = arith.cmpi sgt, %sub3A_426, %gt3A_459 : vector<16xi32>
        %lt3A_461 = arith.constant 2.000000e+01 : f32
        %lt3A_462 = vector.broadcast %lt3A_461 : f32 to vector<16xf32>
        %lt3A_463 = arith.cmpf olt, %add3A_425, %lt3A_462 : vector<16xf32>
        %and3A_464 = arith.andi %gt3A_460, %lt3A_463 : vector<16xi1>
        %jit3A_465 = arith.constant 0.000000e+00 : f32
        %broadcast_in_dim3A_466 = vector.broadcast %jit3A_465 : f32 to vector<16xf32>
        %select_n3A_467 = arith.select %and3A_464, %sub3A_457, %broadcast_in_dim3A_466 : vector<16xi1>, vector<16xf32>
        %add3A_468 = arith.addf %add3A_375, %select_n3A_467 : vector<16xf32>
        scf.yield %add3A_468 : vector<16xf32>
      }
      scf.yield %while3A_99, %reduce_max3A_68 : vector<16xf32>, i32
    }
    %while3A_33 = arith.constant 1 : i32
    %while3A_34:2 = scf.for %while3A_36 = %while3A_30 to %while3A_26 step %while3A_33 iter_args(%while3A_37 = %while3A_32#0, %while3A_38 = %while3A_32#1) -> (vector<16xf32>, i32)  : i32 {
      %broadcast_in_dim3A_39 = arith.constant 0 : i32
      %broadcast_in_dim3A_40 = vector.broadcast %broadcast_in_dim3A_39 : i32 to vector<16xi32>
      %add3A_41 = vector.broadcast %while3A_36 : i32 to vector<16xi32>
      %add3A_42 = arith.addi %broadcast_in_dim3A_40, %add3A_41 : vector<16xi32>
      %gather3A_43 = tpu.vector_load_idx %arg18[%add3A_42] : memref<4096xi32, #tpu.memory_space<vmem>>[vector<16xi32>], vector<16xi32>,
      %reduce_max3A_44 = arith.constant true
      %reduce_max3A_45 = vector.broadcast %reduce_max3A_44 : i1 to vector<16xi1>
      %reduce_max3A_46 = arith.constant -2147483648 : i32
      %reduce_max3A_47 = vector.broadcast %reduce_max3A_46 : i32 to vector<16xi32>
      %reduce_max3A_48 = arith.xori %gather3A_43, %reduce_max3A_47 : vector<16xi32>
      %reduce_max3A_49 = tpu.scan <max>, %reduce_max3A_48 masked %reduce_max3A_45 : vector<16xi32>, vector<16xi1> -> vector<16xi32>
      %reduce_max3A_50 = arith.xori %reduce_max3A_49, %reduce_max3A_47 : vector<16xi32>
      %reduce_max3A_51 = vector.extract %reduce_max3A_50[15] : i32 from vector<16xi32>
      %broadcast_in_dim3A_52 = arith.constant 0 : i32
      %broadcast_in_dim3A_53 = vector.broadcast %broadcast_in_dim3A_52 : i32 to vector<16xi32>
      %add3A_54 = vector.broadcast %reduce_max3A_51 : i32 to vector<16xi32>
      %add3A_55 = arith.addi %broadcast_in_dim3A_53, %add3A_54 : vector<16xi32>
      %gather3A_56 = tpu.vector_load_idx %arg12[%add3A_55] : memref<4096xf32, #tpu.memory_space<vmem>>[vector<16xi32>], vector<16xf32>,
      %gather3A_57 = tpu.vector_load_idx %arg13[%add3A_55] : memref<4096xf32, #tpu.memory_space<vmem>>[vector<16xi32>], vector<16xf32>,
      %gather3A_58 = tpu.vector_load_idx %arg14[%add3A_55] : memref<4096xf32, #tpu.memory_space<vmem>>[vector<16xi32>], vector<16xf32>,
      %gather3A_59 = tpu.vector_load_idx %arg17[%add3A_55] : memref<4096xi32, #tpu.memory_space<vmem>>[vector<16xi32>], vector<16xi32>,
      %gather3A_60 = tpu.vector_load_idx %arg15[%add3A_55] : memref<4096xi32, #tpu.memory_space<vmem>>[vector<16xi32>], vector<16xi32>,
      %reduce_max3A_61 = arith.constant true
      %reduce_max3A_62 = vector.broadcast %reduce_max3A_61 : i1 to vector<16xi1>
      %reduce_max3A_63 = arith.constant -2147483648 : i32
      %reduce_max3A_64 = vector.broadcast %reduce_max3A_63 : i32 to vector<16xi32>
      %reduce_max3A_65 = arith.xori %gather3A_60, %reduce_max3A_64 : vector<16xi32>
      %reduce_max3A_66 = tpu.scan <max>, %reduce_max3A_65 masked %reduce_max3A_62 : vector<16xi32>, vector<16xi1> -> vector<16xi32>
      %reduce_max3A_67 = arith.xori %reduce_max3A_66, %reduce_max3A_64 : vector<16xi32>
      %reduce_max3A_68 = vector.extract %reduce_max3A_67[15] : i32 from vector<16xi32>
      %ne3A = arith.cmpi ne, %reduce_max3A_68, %while3A_38 : i32
      %convert_element_type3A = arith.extui %ne3A : i1 to i32
      %cond3A = arith.constant 0 : i32
      %cond3A_69 = arith.cmpi ne, %convert_element_type3A, %cond3A : i32
      scf.if %cond3A_69 {
        "tpu.region"() ({
          %run_scoped3A = tpu.sem_alloc : memref<!tpu.dma_semaphore, #tpu.memory_space<semaphore_mem>>
          %dma_start3A = arith.constant 0 : i32
          %dma_start3A_100 = tpu.memref_slice %arg10[%reduce_max3A_68, %dma_start3A] : memref<85x10710xf32, #tpu.memory_space<hbm>> -> memref<1x10710xf32, #tpu.memory_space<hbm>>
          %dma_start3A_101 = tpu.memref_squeeze %dma_start3A_100 : memref<1x10710xf32, #tpu.memory_space<hbm>> -> memref<10710xf32, #tpu.memory_space<hbm>>
          %dma_start3A_102 = arith.constant 0 : i32
          %dma_start3A_103 = tpu.memref_slice %arg10[%reduce_max3A_68, %dma_start3A_102] : memref<85x10710xf32, #tpu.memory_space<hbm>> -> memref<1x10710xf32, #tpu.memory_space<hbm>>
          %dma_start3A_104 = tpu.memref_squeeze %dma_start3A_103 : memref<1x10710xf32, #tpu.memory_space<hbm>> -> memref<10710xf32, #tpu.memory_space<hbm>>
          tpu.enqueue_dma source(%dma_start3A_104 : memref<10710xf32, #tpu.memory_space<hbm>>) target(%arg20 : memref<10710xf32, #tpu.memory_space<vmem>>) target_semaphore(%run_scoped3A : memref<!tpu.dma_semaphore, #tpu.memory_space<semaphore_mem>>)
          %dma_wait3A = arith.constant 0 : i32
          %dma_wait3A_105 = tpu.memref_slice %arg10[%reduce_max3A_68, %dma_wait3A] : memref<85x10710xf32, #tpu.memory_space<hbm>> -> memref<1x10710xf32, #tpu.memory_space<hbm>>
          %dma_wait3A_106 = tpu.memref_squeeze %dma_wait3A_105 : memref<1x10710xf32, #tpu.memory_space<hbm>> -> memref<10710xf32, #tpu.memory_space<hbm>>
          %dma_wait3A_107 = arith.constant 0 : i32
          %dma_wait3A_108 = tpu.memref_slice %arg10[%reduce_max3A_68, %dma_wait3A_107] : memref<85x10710xf32, #tpu.memory_space<hbm>> -> memref<1x10710xf32, #tpu.memory_space<hbm>>
          %dma_wait3A_109 = tpu.memref_squeeze %dma_wait3A_108 : memref<1x10710xf32, #tpu.memory_space<hbm>> -> memref<10710xf32, #tpu.memory_space<hbm>>
          tpu.wait_dma2 semaphore(%run_scoped3A : memref<!tpu.dma_semaphore, #tpu.memory_space<semaphore_mem>>) src(%dma_wait3A_109 : memref<10710xf32, #tpu.memory_space<hbm>>) dst(%arg20 : memref<10710xf32, #tpu.memory_space<vmem>>)
          tpu.yield
        }) : () -> ()
      } else {
      }
      %add3A_70 = arith.constant 1 : i32
      %add3A_71 = arith.addi %reduce_max3A_51, %add3A_70 : i32
      %jit3A = arith.constant 64 : i32
      %div3A = arith.divsi %add3A_71, %jit3A : i32
      %sign3A = arith.constant 0 : i32
      %sign3A_72 = arith.cmpi sgt, %add3A_71, %sign3A : i32
      %sign3A_73 = arith.extui %sign3A_72 : i1 to i32
      %sign3A_74 = arith.constant 0 : i32
      %sign3A_75 = arith.cmpi slt, %add3A_71, %sign3A_74 : i32
      %sign3A_76 = arith.extui %sign3A_75 : i1 to i32
      %sign3A_77 = arith.subi %sign3A_73, %sign3A_76 : i32
      %sign3A_78 = arith.constant 0 : i32
      %sign3A_79 = arith.cmpi sgt, %jit3A, %sign3A_78 : i32
      %sign3A_80 = arith.extui %sign3A_79 : i1 to i32
      %sign3A_81 = arith.constant 0 : i32
      %sign3A_82 = arith.cmpi slt, %jit3A, %sign3A_81 : i32
      %sign3A_83 = arith.extui %sign3A_82 : i1 to i32
      %sign3A_84 = arith.subi %sign3A_80, %sign3A_83 : i32
      %ne3A_85 = arith.cmpi ne, %sign3A_77, %sign3A_84 : i32
      %rem3A = arith.remsi %add3A_71, %jit3A : i32
      %ne3A_86 = arith.constant 0 : i32
      %ne3A_87 = arith.cmpi ne, %rem3A, %ne3A_86 : i32
      %and3A = arith.andi %ne3A_85, %ne3A_87 : i1
      %sub3A = arith.constant 1 : i32
      %sub3A_88 = arith.subi %div3A, %sub3A : i32
      %select_n3A = arith.select %and3A, %sub3A_88, %div3A : i32
      %while3A_89 = arith.constant 64 : i32
      %while3A_90 = arith.subi %while3A_89, %select_n3A : i32
      %while3A_91 = arith.addi %select_n3A, %while3A_90 : i32
      %while3A_92 = arith.constant 1 : i32
      %while3A_93 = arith.divsi %while3A_90, %while3A_92 : i32
      %while3A_94 = arith.muli %while3A_93, %while3A_92 : i32
      %while3A_95 = arith.addi %select_n3A, %while3A_94 : i32
      %while3A_96 = arith.constant 1 : i32
      %while3A_97 = scf.for %while3A_100 = %select_n3A to %while3A_95 step %while3A_96 iter_args(%while3A_101 = %while3A_37) -> (vector<16xf32>)  : i32 {
        %mul3A_102 = arith.constant 64 : i32
        %mul3A_103 = arith.muli %while3A_100, %mul3A_102 : i32
        %add3A_104 = arith.constant 0 : i32
        %add3A_105 = arith.addi %mul3A_103, %add3A_104 : i32
        %get3A = arith.index_cast %add3A_105 : i32 to index
        %get3A_106 = tpu.vector_load %arg12[%get3A] {strides = array<i32>} : memref<4096xf32, #tpu.memory_space<vmem>>, vector<16xf32>,
        %get3A_107 = arith.index_cast %add3A_105 : i32 to index
        %get3A_108 = tpu.vector_load %arg13[%get3A_107] {strides = array<i32>} : memref<4096xf32, #tpu.memory_space<vmem>>, vector<16xf32>,
        %get3A_109 = arith.index_cast %add3A_105 : i32 to index
        %get3A_110 = tpu.vector_load %arg14[%get3A_109] {strides = array<i32>} : memref<4096xf32, #tpu.memory_space<vmem>>, vector<16xf32>,
        %get3A_111 = arith.index_cast %add3A_105 : i32 to index
        %get3A_112 = tpu.vector_load %arg17[%get3A_111] {strides = array<i32>} : memref<4096xi32, #tpu.memory_space<vmem>>, vector<16xi32>,
        %get3A_113 = arith.index_cast %add3A_105 : i32 to index
        %get3A_114 = tpu.vector_load %arg16[%get3A_113] {strides = array<i32>} : memref<4096xi32, #tpu.memory_space<vmem>>, vector<16xi32>,
        %sub3A_115 = arith.subf %gather3A_56, %get3A_106 : vector<16xf32>
        %sub3A_116 = arith.subf %gather3A_57, %get3A_108 : vector<16xf32>
        %sub3A_117 = arith.subf %gather3A_58, %get3A_110 : vector<16xf32>
        %mul3A_118 = arith.mulf %sub3A_115, %sub3A_115 : vector<16xf32>
        %mul3A_119 = arith.mulf %sub3A_116, %sub3A_116 : vector<16xf32>
        %add3A_120 = arith.addf %mul3A_118, %mul3A_119 : vector<16xf32>
        %mul3A_121 = arith.mulf %sub3A_117, %sub3A_117 : vector<16xf32>
        %add3A_122 = arith.addf %add3A_120, %mul3A_121 : vector<16xf32>
        %max3A = arith.constant 9.99999996E-13 : f32
        %max3A_123 = vector.broadcast %max3A : f32 to vector<16xf32>
        %max3A_124 = arith.maximumf %add3A_122, %max3A_123 : vector<16xf32>
        %bitcast_convert_type3A = tpu.bitcast %max3A_124 : vector<16xf32> -> vector<16xi32>
        %shift_right_arithmetic3A = arith.constant 1 : i32
        %shift_right_arithmetic3A_125 = vector.broadcast %shift_right_arithmetic3A : i32 to vector<16xi32>
        %shift_right_arithmetic3A_126 = arith.shrsi %bitcast_convert_type3A, %shift_right_arithmetic3A_125 : vector<16xi32>
        %sub3A_127 = arith.constant 1597463007 : i32
        %sub3A_128 = vector.broadcast %sub3A_127 : i32 to vector<16xi32>
        %sub3A_129 = arith.subi %sub3A_128, %shift_right_arithmetic3A_126 : vector<16xi32>
        %bitcast_convert_type3A_130 = tpu.bitcast %sub3A_129 : vector<16xi32> -> vector<16xf32>
        %mul3A_131 = arith.constant 5.000000e-01 : f32
        %mul3A_132 = vector.broadcast %mul3A_131 : f32 to vector<16xf32>
        %mul3A_133 = arith.mulf %mul3A_132, %max3A_124 : vector<16xf32>
        %mul3A_134 = arith.mulf %mul3A_133, %bitcast_convert_type3A_130 : vector<16xf32>
        %mul3A_135 = arith.mulf %mul3A_134, %bitcast_convert_type3A_130 : vector<16xf32>
        %sub3A_136 = arith.constant 1.500000e+00 : f32
        %sub3A_137 = vector.broadcast %sub3A_136 : f32 to vector<16xf32>
        %sub3A_138 = arith.subf %sub3A_137, %mul3A_135 : vector<16xf32>
        %mul3A_139 = arith.mulf %bitcast_convert_type3A_130, %sub3A_138 : vector<16xf32>
        %mul3A_140 = arith.mulf %mul3A_133, %mul3A_139 : vector<16xf32>
        %mul3A_141 = arith.mulf %mul3A_140, %mul3A_139 : vector<16xf32>
        %sub3A_142 = arith.constant 1.500000e+00 : f32
        %sub3A_143 = vector.broadcast %sub3A_142 : f32 to vector<16xf32>
        %sub3A_144 = arith.subf %sub3A_143, %mul3A_141 : vector<16xf32>
        %mul3A_145 = arith.mulf %mul3A_139, %sub3A_144 : vector<16xf32>
        %mul3A_146 = arith.mulf %max3A_124, %mul3A_145 : vector<16xf32>
        %add3A_147 = arith.constant 9.99999993E-9 : f32
        %add3A_148 = vector.broadcast %add3A_147 : f32 to vector<16xf32>
        %add3A_149 = arith.addf %mul3A_146, %add3A_148 : vector<16xf32>
        %sub3A_150 = arith.subi %get3A_112, %gather3A_59 : vector<16xi32>
        %sub3A_151 = arith.constant 1 : i32
        %sub3A_152 = vector.broadcast %sub3A_151 : i32 to vector<16xi32>
        %sub3A_153 = arith.subi %sub3A_150, %sub3A_152 : vector<16xi32>
        %jit3A_154 = arith.constant 0 : i32
        %jit3A_155 = arith.constant 5 : i32
        %max3A_156 = vector.broadcast %jit3A_154 : i32 to vector<16xi32>
        %max3A_157 = arith.maxsi %max3A_156, %sub3A_153 : vector<16xi32>
        %min3A = vector.broadcast %jit3A_155 : i32 to vector<16xi32>
        %min3A_158 = arith.minsi %min3A, %max3A_157 : vector<16xi32>
        %convert_element_type3A_159 = arith.fptosi %add3A_149 : vector<16xf32> to vector<16xi32>
        %min3A_160 = arith.constant 19 : i32
        %min3A_161 = vector.broadcast %min3A_160 : i32 to vector<16xi32>
        %min3A_162 = arith.minsi %convert_element_type3A_159, %min3A_161 : vector<16xi32>
        %convert_element_type3A_163 = arith.sitofp %min3A_162 : vector<16xi32> to vector<16xf32>
        %sub3A_164 = arith.subf %add3A_149, %convert_element_type3A_163 : vector<16xf32>
        %mul3A_165 = arith.constant 1785 : i32
        %mul3A_166 = vector.broadcast %mul3A_165 : i32 to vector<16xi32>
        %mul3A_167 = arith.muli %min3A_158, %mul3A_166 : vector<16xi32>
        %add3A_168 = arith.addi %mul3A_167, %get3A_114 : vector<16xi32>
        %add3A_169 = arith.addi %add3A_168, %min3A_162 : vector<16xi32>
        %gather3A_170 = tpu.vector_load_idx %arg20[%add3A_169] : memref<10710xf32, #tpu.memory_space<vmem>>[vector<16xi32>], vector<16xf32>,
        %add3A_171 = arith.constant 1 : i32
        %add3A_172 = vector.broadcast %add3A_171 : i32 to vector<16xi32>
        %add3A_173 = arith.addi %add3A_169, %add3A_172 : vector<16xi32>
        %gather3A_174 = tpu.vector_load_idx %arg20[%add3A_173] : memref<10710xf32, #tpu.memory_space<vmem>>[vector<16xi32>], vector<16xf32>,
        %sub3A_175 = arith.subf %gather3A_174, %gather3A_170 : vector<16xf32>
        %mul3A_176 = arith.mulf %sub3A_164, %sub3A_175 : vector<16xf32>
        %add3A_177 = arith.addf %gather3A_170, %mul3A_176 : vector<16xf32>
        %sub3A_178 = arith.constant 2.700000e+00 : f32
        %sub3A_179 = vector.broadcast %sub3A_178 : f32 to vector<16xf32>
        %sub3A_180 = arith.subf %add3A_177, %sub3A_179 : vector<16xf32>
        %gt3A = arith.constant 2 : i32
        %gt3A_181 = vector.broadcast %gt3A : i32 to vector<16xi32>
        %gt3A_182 = arith.cmpi sgt, %sub3A_150, %gt3A_181 : vector<16xi32>
        %lt3A = arith.constant 2.000000e+01 : f32
        %lt3A_183 = vector.broadcast %lt3A : f32 to vector<16xf32>
        %lt3A_184 = arith.cmpf olt, %add3A_149, %lt3A_183 : vector<16xf32>
        %and3A_185 = arith.andi %gt3A_182, %lt3A_184 : vector<16xi1>
        %jit3A_186 = arith.constant 0.000000e+00 : f32
        %broadcast_in_dim3A_187 = vector.broadcast %jit3A_186 : f32 to vector<16xf32>
        %select_n3A_188 = arith.select %and3A_185, %sub3A_180, %broadcast_in_dim3A_187 : vector<16xi1>, vector<16xf32>
        %add3A_189 = arith.addf %while3A_101, %select_n3A_188 : vector<16xf32>
        %add3A_190 = arith.constant 16 : i32
        %add3A_191 = arith.addi %mul3A_103, %add3A_190 : i32
        %get3A_192 = arith.index_cast %add3A_191 : i32 to index
        %get3A_193 = tpu.vector_load %arg12[%get3A_192] {strides = array<i32>} : memref<4096xf32, #tpu.memory_space<vmem>>, vector<16xf32>,
        %get3A_194 = arith.index_cast %add3A_191 : i32 to index
        %get3A_195 = tpu.vector_load %arg13[%get3A_194] {strides = array<i32>} : memref<4096xf32, #tpu.memory_space<vmem>>, vector<16xf32>,
        %get3A_196 = arith.index_cast %add3A_191 : i32 to index
        %get3A_197 = tpu.vector_load %arg14[%get3A_196] {strides = array<i32>} : memref<4096xf32, #tpu.memory_space<vmem>>, vector<16xf32>,
        %get3A_198 = arith.index_cast %add3A_191 : i32 to index
        %get3A_199 = tpu.vector_load %arg17[%get3A_198] {strides = array<i32>} : memref<4096xi32, #tpu.memory_space<vmem>>, vector<16xi32>,
        %get3A_200 = arith.index_cast %add3A_191 : i32 to index
        %get3A_201 = tpu.vector_load %arg16[%get3A_200] {strides = array<i32>} : memref<4096xi32, #tpu.memory_space<vmem>>, vector<16xi32>,
        %sub3A_202 = arith.subf %gather3A_56, %get3A_193 : vector<16xf32>
        %sub3A_203 = arith.subf %gather3A_57, %get3A_195 : vector<16xf32>
        %sub3A_204 = arith.subf %gather3A_58, %get3A_197 : vector<16xf32>
        %mul3A_205 = arith.mulf %sub3A_202, %sub3A_202 : vector<16xf32>
        %mul3A_206 = arith.mulf %sub3A_203, %sub3A_203 : vector<16xf32>
        %add3A_207 = arith.addf %mul3A_205, %mul3A_206 : vector<16xf32>
        %mul3A_208 = arith.mulf %sub3A_204, %sub3A_204 : vector<16xf32>
        %add3A_209 = arith.addf %add3A_207, %mul3A_208 : vector<16xf32>
        %max3A_210 = arith.constant 9.99999996E-13 : f32
        %max3A_211 = vector.broadcast %max3A_210 : f32 to vector<16xf32>
        %max3A_212 = arith.maximumf %add3A_209, %max3A_211 : vector<16xf32>
        %bitcast_convert_type3A_213 = tpu.bitcast %max3A_212 : vector<16xf32> -> vector<16xi32>
        %shift_right_arithmetic3A_214 = arith.constant 1 : i32
        %shift_right_arithmetic3A_215 = vector.broadcast %shift_right_arithmetic3A_214 : i32 to vector<16xi32>
        %shift_right_arithmetic3A_216 = arith.shrsi %bitcast_convert_type3A_213, %shift_right_arithmetic3A_215 : vector<16xi32>
        %sub3A_217 = arith.constant 1597463007 : i32
        %sub3A_218 = vector.broadcast %sub3A_217 : i32 to vector<16xi32>
        %sub3A_219 = arith.subi %sub3A_218, %shift_right_arithmetic3A_216 : vector<16xi32>
        %bitcast_convert_type3A_220 = tpu.bitcast %sub3A_219 : vector<16xi32> -> vector<16xf32>
        %mul3A_221 = arith.constant 5.000000e-01 : f32
        %mul3A_222 = vector.broadcast %mul3A_221 : f32 to vector<16xf32>
        %mul3A_223 = arith.mulf %mul3A_222, %max3A_212 : vector<16xf32>
        %mul3A_224 = arith.mulf %mul3A_223, %bitcast_convert_type3A_220 : vector<16xf32>
        %mul3A_225 = arith.mulf %mul3A_224, %bitcast_convert_type3A_220 : vector<16xf32>
        %sub3A_226 = arith.constant 1.500000e+00 : f32
        %sub3A_227 = vector.broadcast %sub3A_226 : f32 to vector<16xf32>
        %sub3A_228 = arith.subf %sub3A_227, %mul3A_225 : vector<16xf32>
        %mul3A_229 = arith.mulf %bitcast_convert_type3A_220, %sub3A_228 : vector<16xf32>
        %mul3A_230 = arith.mulf %mul3A_223, %mul3A_229 : vector<16xf32>
        %mul3A_231 = arith.mulf %mul3A_230, %mul3A_229 : vector<16xf32>
        %sub3A_232 = arith.constant 1.500000e+00 : f32
        %sub3A_233 = vector.broadcast %sub3A_232 : f32 to vector<16xf32>
        %sub3A_234 = arith.subf %sub3A_233, %mul3A_231 : vector<16xf32>
        %mul3A_235 = arith.mulf %mul3A_229, %sub3A_234 : vector<16xf32>
        %mul3A_236 = arith.mulf %max3A_212, %mul3A_235 : vector<16xf32>
        %add3A_237 = arith.constant 9.99999993E-9 : f32
        %add3A_238 = vector.broadcast %add3A_237 : f32 to vector<16xf32>
        %add3A_239 = arith.addf %mul3A_236, %add3A_238 : vector<16xf32>
        %sub3A_240 = arith.subi %get3A_199, %gather3A_59 : vector<16xi32>
        %sub3A_241 = arith.constant 1 : i32
        %sub3A_242 = vector.broadcast %sub3A_241 : i32 to vector<16xi32>
        %sub3A_243 = arith.subi %sub3A_240, %sub3A_242 : vector<16xi32>
        %jit3A_244 = arith.constant 0 : i32
        %jit3A_245 = arith.constant 5 : i32
        %max3A_246 = vector.broadcast %jit3A_244 : i32 to vector<16xi32>
        %max3A_247 = arith.maxsi %max3A_246, %sub3A_243 : vector<16xi32>
        %min3A_248 = vector.broadcast %jit3A_245 : i32 to vector<16xi32>
        %min3A_249 = arith.minsi %min3A_248, %max3A_247 : vector<16xi32>
        %convert_element_type3A_250 = arith.fptosi %add3A_239 : vector<16xf32> to vector<16xi32>
        %min3A_251 = arith.constant 19 : i32
        %min3A_252 = vector.broadcast %min3A_251 : i32 to vector<16xi32>
        %min3A_253 = arith.minsi %convert_element_type3A_250, %min3A_252 : vector<16xi32>
        %convert_element_type3A_254 = arith.sitofp %min3A_253 : vector<16xi32> to vector<16xf32>
        %sub3A_255 = arith.subf %add3A_239, %convert_element_type3A_254 : vector<16xf32>
        %mul3A_256 = arith.constant 1785 : i32
        %mul3A_257 = vector.broadcast %mul3A_256 : i32 to vector<16xi32>
        %mul3A_258 = arith.muli %min3A_249, %mul3A_257 : vector<16xi32>
        %add3A_259 = arith.addi %mul3A_258, %get3A_201 : vector<16xi32>
        %add3A_260 = arith.addi %add3A_259, %min3A_253 : vector<16xi32>
        %gather3A_261 = tpu.vector_load_idx %arg20[%add3A_260] : memref<10710xf32, #tpu.memory_space<vmem>>[vector<16xi32>], vector<16xf32>,
        %add3A_262 = arith.constant 1 : i32
        %add3A_263 = vector.broadcast %add3A_262 : i32 to vector<16xi32>
        %add3A_264 = arith.addi %add3A_260, %add3A_263 : vector<16xi32>
        %gather3A_265 = tpu.vector_load_idx %arg20[%add3A_264] : memref<10710xf32, #tpu.memory_space<vmem>>[vector<16xi32>], vector<16xf32>,
        %sub3A_266 = arith.subf %gather3A_265, %gather3A_261 : vector<16xf32>
        %mul3A_267 = arith.mulf %sub3A_255, %sub3A_266 : vector<16xf32>
        %add3A_268 = arith.addf %gather3A_261, %mul3A_267 : vector<16xf32>
        %sub3A_269 = arith.constant 2.700000e+00 : f32
        %sub3A_270 = vector.broadcast %sub3A_269 : f32 to vector<16xf32>
        %sub3A_271 = arith.subf %add3A_268, %sub3A_270 : vector<16xf32>
        %gt3A_272 = arith.constant 2 : i32
        %gt3A_273 = vector.broadcast %gt3A_272 : i32 to vector<16xi32>
        %gt3A_274 = arith.cmpi sgt, %sub3A_240, %gt3A_273 : vector<16xi32>
        %lt3A_275 = arith.constant 2.000000e+01 : f32
        %lt3A_276 = vector.broadcast %lt3A_275 : f32 to vector<16xf32>
        %lt3A_277 = arith.cmpf olt, %add3A_239, %lt3A_276 : vector<16xf32>
        %and3A_278 = arith.andi %gt3A_274, %lt3A_277 : vector<16xi1>
        %jit3A_279 = arith.constant 0.000000e+00 : f32
        %broadcast_in_dim3A_280 = vector.broadcast %jit3A_279 : f32 to vector<16xf32>
        %select_n3A_281 = arith.select %and3A_278, %sub3A_271, %broadcast_in_dim3A_280 : vector<16xi1>, vector<16xf32>
        %add3A_282 = arith.addf %add3A_189, %select_n3A_281 : vector<16xf32>
        %add3A_283 = arith.constant 32 : i32
        %add3A_284 = arith.addi %mul3A_103, %add3A_283 : i32
        %get3A_285 = arith.index_cast %add3A_284 : i32 to index
        %get3A_286 = tpu.vector_load %arg12[%get3A_285] {strides = array<i32>} : memref<4096xf32, #tpu.memory_space<vmem>>, vector<16xf32>,
        %get3A_287 = arith.index_cast %add3A_284 : i32 to index
        %get3A_288 = tpu.vector_load %arg13[%get3A_287] {strides = array<i32>} : memref<4096xf32, #tpu.memory_space<vmem>>, vector<16xf32>,
        %get3A_289 = arith.index_cast %add3A_284 : i32 to index
        %get3A_290 = tpu.vector_load %arg14[%get3A_289] {strides = array<i32>} : memref<4096xf32, #tpu.memory_space<vmem>>, vector<16xf32>,
        %get3A_291 = arith.index_cast %add3A_284 : i32 to index
        %get3A_292 = tpu.vector_load %arg17[%get3A_291] {strides = array<i32>} : memref<4096xi32, #tpu.memory_space<vmem>>, vector<16xi32>,
        %get3A_293 = arith.index_cast %add3A_284 : i32 to index
        %get3A_294 = tpu.vector_load %arg16[%get3A_293] {strides = array<i32>} : memref<4096xi32, #tpu.memory_space<vmem>>, vector<16xi32>,
        %sub3A_295 = arith.subf %gather3A_56, %get3A_286 : vector<16xf32>
        %sub3A_296 = arith.subf %gather3A_57, %get3A_288 : vector<16xf32>
        %sub3A_297 = arith.subf %gather3A_58, %get3A_290 : vector<16xf32>
        %mul3A_298 = arith.mulf %sub3A_295, %sub3A_295 : vector<16xf32>
        %mul3A_299 = arith.mulf %sub3A_296, %sub3A_296 : vector<16xf32>
        %add3A_300 = arith.addf %mul3A_298, %mul3A_299 : vector<16xf32>
        %mul3A_301 = arith.mulf %sub3A_297, %sub3A_297 : vector<16xf32>
        %add3A_302 = arith.addf %add3A_300, %mul3A_301 : vector<16xf32>
        %max3A_303 = arith.constant 9.99999996E-13 : f32
        %max3A_304 = vector.broadcast %max3A_303 : f32 to vector<16xf32>
        %max3A_305 = arith.maximumf %add3A_302, %max3A_304 : vector<16xf32>
        %bitcast_convert_type3A_306 = tpu.bitcast %max3A_305 : vector<16xf32> -> vector<16xi32>
        %shift_right_arithmetic3A_307 = arith.constant 1 : i32
        %shift_right_arithmetic3A_308 = vector.broadcast %shift_right_arithmetic3A_307 : i32 to vector<16xi32>
        %shift_right_arithmetic3A_309 = arith.shrsi %bitcast_convert_type3A_306, %shift_right_arithmetic3A_308 : vector<16xi32>
        %sub3A_310 = arith.constant 1597463007 : i32
        %sub3A_311 = vector.broadcast %sub3A_310 : i32 to vector<16xi32>
        %sub3A_312 = arith.subi %sub3A_311, %shift_right_arithmetic3A_309 : vector<16xi32>
        %bitcast_convert_type3A_313 = tpu.bitcast %sub3A_312 : vector<16xi32> -> vector<16xf32>
        %mul3A_314 = arith.constant 5.000000e-01 : f32
        %mul3A_315 = vector.broadcast %mul3A_314 : f32 to vector<16xf32>
        %mul3A_316 = arith.mulf %mul3A_315, %max3A_305 : vector<16xf32>
        %mul3A_317 = arith.mulf %mul3A_316, %bitcast_convert_type3A_313 : vector<16xf32>
        %mul3A_318 = arith.mulf %mul3A_317, %bitcast_convert_type3A_313 : vector<16xf32>
        %sub3A_319 = arith.constant 1.500000e+00 : f32
        %sub3A_320 = vector.broadcast %sub3A_319 : f32 to vector<16xf32>
        %sub3A_321 = arith.subf %sub3A_320, %mul3A_318 : vector<16xf32>
        %mul3A_322 = arith.mulf %bitcast_convert_type3A_313, %sub3A_321 : vector<16xf32>
        %mul3A_323 = arith.mulf %mul3A_316, %mul3A_322 : vector<16xf32>
        %mul3A_324 = arith.mulf %mul3A_323, %mul3A_322 : vector<16xf32>
        %sub3A_325 = arith.constant 1.500000e+00 : f32
        %sub3A_326 = vector.broadcast %sub3A_325 : f32 to vector<16xf32>
        %sub3A_327 = arith.subf %sub3A_326, %mul3A_324 : vector<16xf32>
        %mul3A_328 = arith.mulf %mul3A_322, %sub3A_327 : vector<16xf32>
        %mul3A_329 = arith.mulf %max3A_305, %mul3A_328 : vector<16xf32>
        %add3A_330 = arith.constant 9.99999993E-9 : f32
        %add3A_331 = vector.broadcast %add3A_330 : f32 to vector<16xf32>
        %add3A_332 = arith.addf %mul3A_329, %add3A_331 : vector<16xf32>
        %sub3A_333 = arith.subi %get3A_292, %gather3A_59 : vector<16xi32>
        %sub3A_334 = arith.constant 1 : i32
        %sub3A_335 = vector.broadcast %sub3A_334 : i32 to vector<16xi32>
        %sub3A_336 = arith.subi %sub3A_333, %sub3A_335 : vector<16xi32>
        %jit3A_337 = arith.constant 0 : i32
        %jit3A_338 = arith.constant 5 : i32
        %max3A_339 = vector.broadcast %jit3A_337 : i32 to vector<16xi32>
        %max3A_340 = arith.maxsi %max3A_339, %sub3A_336 : vector<16xi32>
        %min3A_341 = vector.broadcast %jit3A_338 : i32 to vector<16xi32>
        %min3A_342 = arith.minsi %min3A_341, %max3A_340 : vector<16xi32>
        %convert_element_type3A_343 = arith.fptosi %add3A_332 : vector<16xf32> to vector<16xi32>
        %min3A_344 = arith.constant 19 : i32
        %min3A_345 = vector.broadcast %min3A_344 : i32 to vector<16xi32>
        %min3A_346 = arith.minsi %convert_element_type3A_343, %min3A_345 : vector<16xi32>
        %convert_element_type3A_347 = arith.sitofp %min3A_346 : vector<16xi32> to vector<16xf32>
        %sub3A_348 = arith.subf %add3A_332, %convert_element_type3A_347 : vector<16xf32>
        %mul3A_349 = arith.constant 1785 : i32
        %mul3A_350 = vector.broadcast %mul3A_349 : i32 to vector<16xi32>
        %mul3A_351 = arith.muli %min3A_342, %mul3A_350 : vector<16xi32>
        %add3A_352 = arith.addi %mul3A_351, %get3A_294 : vector<16xi32>
        %add3A_353 = arith.addi %add3A_352, %min3A_346 : vector<16xi32>
        %gather3A_354 = tpu.vector_load_idx %arg20[%add3A_353] : memref<10710xf32, #tpu.memory_space<vmem>>[vector<16xi32>], vector<16xf32>,
        %add3A_355 = arith.constant 1 : i32
        %add3A_356 = vector.broadcast %add3A_355 : i32 to vector<16xi32>
        %add3A_357 = arith.addi %add3A_353, %add3A_356 : vector<16xi32>
        %gather3A_358 = tpu.vector_load_idx %arg20[%add3A_357] : memref<10710xf32, #tpu.memory_space<vmem>>[vector<16xi32>], vector<16xf32>,
        %sub3A_359 = arith.subf %gather3A_358, %gather3A_354 : vector<16xf32>
        %mul3A_360 = arith.mulf %sub3A_348, %sub3A_359 : vector<16xf32>
        %add3A_361 = arith.addf %gather3A_354, %mul3A_360 : vector<16xf32>
        %sub3A_362 = arith.constant 2.700000e+00 : f32
        %sub3A_363 = vector.broadcast %sub3A_362 : f32 to vector<16xf32>
        %sub3A_364 = arith.subf %add3A_361, %sub3A_363 : vector<16xf32>
        %gt3A_365 = arith.constant 2 : i32
        %gt3A_366 = vector.broadcast %gt3A_365 : i32 to vector<16xi32>
        %gt3A_367 = arith.cmpi sgt, %sub3A_333, %gt3A_366 : vector<16xi32>
        %lt3A_368 = arith.constant 2.000000e+01 : f32
        %lt3A_369 = vector.broadcast %lt3A_368 : f32 to vector<16xf32>
        %lt3A_370 = arith.cmpf olt, %add3A_332, %lt3A_369 : vector<16xf32>
        %and3A_371 = arith.andi %gt3A_367, %lt3A_370 : vector<16xi1>
        %jit3A_372 = arith.constant 0.000000e+00 : f32
        %broadcast_in_dim3A_373 = vector.broadcast %jit3A_372 : f32 to vector<16xf32>
        %select_n3A_374 = arith.select %and3A_371, %sub3A_364, %broadcast_in_dim3A_373 : vector<16xi1>, vector<16xf32>
        %add3A_375 = arith.addf %add3A_282, %select_n3A_374 : vector<16xf32>
        %add3A_376 = arith.constant 48 : i32
        %add3A_377 = arith.addi %mul3A_103, %add3A_376 : i32
        %get3A_378 = arith.index_cast %add3A_377 : i32 to index
        %get3A_379 = tpu.vector_load %arg12[%get3A_378] {strides = array<i32>} : memref<4096xf32, #tpu.memory_space<vmem>>, vector<16xf32>,
        %get3A_380 = arith.index_cast %add3A_377 : i32 to index
        %get3A_381 = tpu.vector_load %arg13[%get3A_380] {strides = array<i32>} : memref<4096xf32, #tpu.memory_space<vmem>>, vector<16xf32>,
        %get3A_382 = arith.index_cast %add3A_377 : i32 to index
        %get3A_383 = tpu.vector_load %arg14[%get3A_382] {strides = array<i32>} : memref<4096xf32, #tpu.memory_space<vmem>>, vector<16xf32>,
        %get3A_384 = arith.index_cast %add3A_377 : i32 to index
        %get3A_385 = tpu.vector_load %arg17[%get3A_384] {strides = array<i32>} : memref<4096xi32, #tpu.memory_space<vmem>>, vector<16xi32>,
        %get3A_386 = arith.index_cast %add3A_377 : i32 to index
        %get3A_387 = tpu.vector_load %arg16[%get3A_386] {strides = array<i32>} : memref<4096xi32, #tpu.memory_space<vmem>>, vector<16xi32>,
        %sub3A_388 = arith.subf %gather3A_56, %get3A_379 : vector<16xf32>
        %sub3A_389 = arith.subf %gather3A_57, %get3A_381 : vector<16xf32>
        %sub3A_390 = arith.subf %gather3A_58, %get3A_383 : vector<16xf32>
        %mul3A_391 = arith.mulf %sub3A_388, %sub3A_388 : vector<16xf32>
        %mul3A_392 = arith.mulf %sub3A_389, %sub3A_389 : vector<16xf32>
        %add3A_393 = arith.addf %mul3A_391, %mul3A_392 : vector<16xf32>
        %mul3A_394 = arith.mulf %sub3A_390, %sub3A_390 : vector<16xf32>
        %add3A_395 = arith.addf %add3A_393, %mul3A_394 : vector<16xf32>
        %max3A_396 = arith.constant 9.99999996E-13 : f32
        %max3A_397 = vector.broadcast %max3A_396 : f32 to vector<16xf32>
        %max3A_398 = arith.maximumf %add3A_395, %max3A_397 : vector<16xf32>
        %bitcast_convert_type3A_399 = tpu.bitcast %max3A_398 : vector<16xf32> -> vector<16xi32>
        %shift_right_arithmetic3A_400 = arith.constant 1 : i32
        %shift_right_arithmetic3A_401 = vector.broadcast %shift_right_arithmetic3A_400 : i32 to vector<16xi32>
        %shift_right_arithmetic3A_402 = arith.shrsi %bitcast_convert_type3A_399, %shift_right_arithmetic3A_401 : vector<16xi32>
        %sub3A_403 = arith.constant 1597463007 : i32
        %sub3A_404 = vector.broadcast %sub3A_403 : i32 to vector<16xi32>
        %sub3A_405 = arith.subi %sub3A_404, %shift_right_arithmetic3A_402 : vector<16xi32>
        %bitcast_convert_type3A_406 = tpu.bitcast %sub3A_405 : vector<16xi32> -> vector<16xf32>
        %mul3A_407 = arith.constant 5.000000e-01 : f32
        %mul3A_408 = vector.broadcast %mul3A_407 : f32 to vector<16xf32>
        %mul3A_409 = arith.mulf %mul3A_408, %max3A_398 : vector<16xf32>
        %mul3A_410 = arith.mulf %mul3A_409, %bitcast_convert_type3A_406 : vector<16xf32>
        %mul3A_411 = arith.mulf %mul3A_410, %bitcast_convert_type3A_406 : vector<16xf32>
        %sub3A_412 = arith.constant 1.500000e+00 : f32
        %sub3A_413 = vector.broadcast %sub3A_412 : f32 to vector<16xf32>
        %sub3A_414 = arith.subf %sub3A_413, %mul3A_411 : vector<16xf32>
        %mul3A_415 = arith.mulf %bitcast_convert_type3A_406, %sub3A_414 : vector<16xf32>
        %mul3A_416 = arith.mulf %mul3A_409, %mul3A_415 : vector<16xf32>
        %mul3A_417 = arith.mulf %mul3A_416, %mul3A_415 : vector<16xf32>
        %sub3A_418 = arith.constant 1.500000e+00 : f32
        %sub3A_419 = vector.broadcast %sub3A_418 : f32 to vector<16xf32>
        %sub3A_420 = arith.subf %sub3A_419, %mul3A_417 : vector<16xf32>
        %mul3A_421 = arith.mulf %mul3A_415, %sub3A_420 : vector<16xf32>
        %mul3A_422 = arith.mulf %max3A_398, %mul3A_421 : vector<16xf32>
        %add3A_423 = arith.constant 9.99999993E-9 : f32
        %add3A_424 = vector.broadcast %add3A_423 : f32 to vector<16xf32>
        %add3A_425 = arith.addf %mul3A_422, %add3A_424 : vector<16xf32>
        %sub3A_426 = arith.subi %get3A_385, %gather3A_59 : vector<16xi32>
        %sub3A_427 = arith.constant 1 : i32
        %sub3A_428 = vector.broadcast %sub3A_427 : i32 to vector<16xi32>
        %sub3A_429 = arith.subi %sub3A_426, %sub3A_428 : vector<16xi32>
        %jit3A_430 = arith.constant 0 : i32
        %jit3A_431 = arith.constant 5 : i32
        %max3A_432 = vector.broadcast %jit3A_430 : i32 to vector<16xi32>
        %max3A_433 = arith.maxsi %max3A_432, %sub3A_429 : vector<16xi32>
        %min3A_434 = vector.broadcast %jit3A_431 : i32 to vector<16xi32>
        %min3A_435 = arith.minsi %min3A_434, %max3A_433 : vector<16xi32>
        %convert_element_type3A_436 = arith.fptosi %add3A_425 : vector<16xf32> to vector<16xi32>
        %min3A_437 = arith.constant 19 : i32
        %min3A_438 = vector.broadcast %min3A_437 : i32 to vector<16xi32>
        %min3A_439 = arith.minsi %convert_element_type3A_436, %min3A_438 : vector<16xi32>
        %convert_element_type3A_440 = arith.sitofp %min3A_439 : vector<16xi32> to vector<16xf32>
        %sub3A_441 = arith.subf %add3A_425, %convert_element_type3A_440 : vector<16xf32>
        %mul3A_442 = arith.constant 1785 : i32
        %mul3A_443 = vector.broadcast %mul3A_442 : i32 to vector<16xi32>
        %mul3A_444 = arith.muli %min3A_435, %mul3A_443 : vector<16xi32>
        %add3A_445 = arith.addi %mul3A_444, %get3A_387 : vector<16xi32>
        %add3A_446 = arith.addi %add3A_445, %min3A_439 : vector<16xi32>
        %gather3A_447 = tpu.vector_load_idx %arg20[%add3A_446] : memref<10710xf32, #tpu.memory_space<vmem>>[vector<16xi32>], vector<16xf32>,
        %add3A_448 = arith.constant 1 : i32
        %add3A_449 = vector.broadcast %add3A_448 : i32 to vector<16xi32>
        %add3A_450 = arith.addi %add3A_446, %add3A_449 : vector<16xi32>
        %gather3A_451 = tpu.vector_load_idx %arg20[%add3A_450] : memref<10710xf32, #tpu.memory_space<vmem>>[vector<16xi32>], vector<16xf32>,
        %sub3A_452 = arith.subf %gather3A_451, %gather3A_447 : vector<16xf32>
        %mul3A_453 = arith.mulf %sub3A_441, %sub3A_452 : vector<16xf32>
        %add3A_454 = arith.addf %gather3A_447, %mul3A_453 : vector<16xf32>
        %sub3A_455 = arith.constant 2.700000e+00 : f32
        %sub3A_456 = vector.broadcast %sub3A_455 : f32 to vector<16xf32>
        %sub3A_457 = arith.subf %add3A_454, %sub3A_456 : vector<16xf32>
        %gt3A_458 = arith.constant 2 : i32
        %gt3A_459 = vector.broadcast %gt3A_458 : i32 to vector<16xi32>
        %gt3A_460 = arith.cmpi sgt, %sub3A_426, %gt3A_459 : vector<16xi32>
        %lt3A_461 = arith.constant 2.000000e+01 : f32
        %lt3A_462 = vector.broadcast %lt3A_461 : f32 to vector<16xf32>
        %lt3A_463 = arith.cmpf olt, %add3A_425, %lt3A_462 : vector<16xf32>
        %and3A_464 = arith.andi %gt3A_460, %lt3A_463 : vector<16xi1>
        %jit3A_465 = arith.constant 0.000000e+00 : f32
        %broadcast_in_dim3A_466 = vector.broadcast %jit3A_465 : f32 to vector<16xf32>
        %select_n3A_467 = arith.select %and3A_464, %sub3A_457, %broadcast_in_dim3A_466 : vector<16xi1>, vector<16xf32>
        %add3A_468 = arith.addf %add3A_375, %select_n3A_467 : vector<16xf32>
        scf.yield %add3A_468 : vector<16xf32>
      }
      %while3A_98 = arith.constant 1 : i32
      %while3A_99 = scf.for %while3A_100 = %while3A_95 to %while3A_91 step %while3A_98 iter_args(%while3A_101 = %while3A_97) -> (vector<16xf32>)  : i32 {
        %mul3A_102 = arith.constant 64 : i32
        %mul3A_103 = arith.muli %while3A_100, %mul3A_102 : i32
        %add3A_104 = arith.constant 0 : i32
        %add3A_105 = arith.addi %mul3A_103, %add3A_104 : i32
        %get3A = arith.index_cast %add3A_105 : i32 to index
        %get3A_106 = tpu.vector_load %arg12[%get3A] {strides = array<i32>} : memref<4096xf32, #tpu.memory_space<vmem>>, vector<16xf32>,
        %get3A_107 = arith.index_cast %add3A_105 : i32 to index
        %get3A_108 = tpu.vector_load %arg13[%get3A_107] {strides = array<i32>} : memref<4096xf32, #tpu.memory_space<vmem>>, vector<16xf32>,
        %get3A_109 = arith.index_cast %add3A_105 : i32 to index
        %get3A_110 = tpu.vector_load %arg14[%get3A_109] {strides = array<i32>} : memref<4096xf32, #tpu.memory_space<vmem>>, vector<16xf32>,
        %get3A_111 = arith.index_cast %add3A_105 : i32 to index
        %get3A_112 = tpu.vector_load %arg17[%get3A_111] {strides = array<i32>} : memref<4096xi32, #tpu.memory_space<vmem>>, vector<16xi32>,
        %get3A_113 = arith.index_cast %add3A_105 : i32 to index
        %get3A_114 = tpu.vector_load %arg16[%get3A_113] {strides = array<i32>} : memref<4096xi32, #tpu.memory_space<vmem>>, vector<16xi32>,
        %sub3A_115 = arith.subf %gather3A_56, %get3A_106 : vector<16xf32>
        %sub3A_116 = arith.subf %gather3A_57, %get3A_108 : vector<16xf32>
        %sub3A_117 = arith.subf %gather3A_58, %get3A_110 : vector<16xf32>
        %mul3A_118 = arith.mulf %sub3A_115, %sub3A_115 : vector<16xf32>
        %mul3A_119 = arith.mulf %sub3A_116, %sub3A_116 : vector<16xf32>
        %add3A_120 = arith.addf %mul3A_118, %mul3A_119 : vector<16xf32>
        %mul3A_121 = arith.mulf %sub3A_117, %sub3A_117 : vector<16xf32>
        %add3A_122 = arith.addf %add3A_120, %mul3A_121 : vector<16xf32>
        %max3A = arith.constant 9.99999996E-13 : f32
        %max3A_123 = vector.broadcast %max3A : f32 to vector<16xf32>
        %max3A_124 = arith.maximumf %add3A_122, %max3A_123 : vector<16xf32>
        %bitcast_convert_type3A = tpu.bitcast %max3A_124 : vector<16xf32> -> vector<16xi32>
        %shift_right_arithmetic3A = arith.constant 1 : i32
        %shift_right_arithmetic3A_125 = vector.broadcast %shift_right_arithmetic3A : i32 to vector<16xi32>
        %shift_right_arithmetic3A_126 = arith.shrsi %bitcast_convert_type3A, %shift_right_arithmetic3A_125 : vector<16xi32>
        %sub3A_127 = arith.constant 1597463007 : i32
        %sub3A_128 = vector.broadcast %sub3A_127 : i32 to vector<16xi32>
        %sub3A_129 = arith.subi %sub3A_128, %shift_right_arithmetic3A_126 : vector<16xi32>
        %bitcast_convert_type3A_130 = tpu.bitcast %sub3A_129 : vector<16xi32> -> vector<16xf32>
        %mul3A_131 = arith.constant 5.000000e-01 : f32
        %mul3A_132 = vector.broadcast %mul3A_131 : f32 to vector<16xf32>
        %mul3A_133 = arith.mulf %mul3A_132, %max3A_124 : vector<16xf32>
        %mul3A_134 = arith.mulf %mul3A_133, %bitcast_convert_type3A_130 : vector<16xf32>
        %mul3A_135 = arith.mulf %mul3A_134, %bitcast_convert_type3A_130 : vector<16xf32>
        %sub3A_136 = arith.constant 1.500000e+00 : f32
        %sub3A_137 = vector.broadcast %sub3A_136 : f32 to vector<16xf32>
        %sub3A_138 = arith.subf %sub3A_137, %mul3A_135 : vector<16xf32>
        %mul3A_139 = arith.mulf %bitcast_convert_type3A_130, %sub3A_138 : vector<16xf32>
        %mul3A_140 = arith.mulf %mul3A_133, %mul3A_139 : vector<16xf32>
        %mul3A_141 = arith.mulf %mul3A_140, %mul3A_139 : vector<16xf32>
        %sub3A_142 = arith.constant 1.500000e+00 : f32
        %sub3A_143 = vector.broadcast %sub3A_142 : f32 to vector<16xf32>
        %sub3A_144 = arith.subf %sub3A_143, %mul3A_141 : vector<16xf32>
        %mul3A_145 = arith.mulf %mul3A_139, %sub3A_144 : vector<16xf32>
        %mul3A_146 = arith.mulf %max3A_124, %mul3A_145 : vector<16xf32>
        %add3A_147 = arith.constant 9.99999993E-9 : f32
        %add3A_148 = vector.broadcast %add3A_147 : f32 to vector<16xf32>
        %add3A_149 = arith.addf %mul3A_146, %add3A_148 : vector<16xf32>
        %sub3A_150 = arith.subi %get3A_112, %gather3A_59 : vector<16xi32>
        %sub3A_151 = arith.constant 1 : i32
        %sub3A_152 = vector.broadcast %sub3A_151 : i32 to vector<16xi32>
        %sub3A_153 = arith.subi %sub3A_150, %sub3A_152 : vector<16xi32>
        %jit3A_154 = arith.constant 0 : i32
        %jit3A_155 = arith.constant 5 : i32
        %max3A_156 = vector.broadcast %jit3A_154 : i32 to vector<16xi32>
        %max3A_157 = arith.maxsi %max3A_156, %sub3A_153 : vector<16xi32>
        %min3A = vector.broadcast %jit3A_155 : i32 to vector<16xi32>
        %min3A_158 = arith.minsi %min3A, %max3A_157 : vector<16xi32>
        %convert_element_type3A_159 = arith.fptosi %add3A_149 : vector<16xf32> to vector<16xi32>
        %min3A_160 = arith.constant 19 : i32
        %min3A_161 = vector.broadcast %min3A_160 : i32 to vector<16xi32>
        %min3A_162 = arith.minsi %convert_element_type3A_159, %min3A_161 : vector<16xi32>
        %convert_element_type3A_163 = arith.sitofp %min3A_162 : vector<16xi32> to vector<16xf32>
        %sub3A_164 = arith.subf %add3A_149, %convert_element_type3A_163 : vector<16xf32>
        %mul3A_165 = arith.constant 1785 : i32
        %mul3A_166 = vector.broadcast %mul3A_165 : i32 to vector<16xi32>
        %mul3A_167 = arith.muli %min3A_158, %mul3A_166 : vector<16xi32>
        %add3A_168 = arith.addi %mul3A_167, %get3A_114 : vector<16xi32>
        %add3A_169 = arith.addi %add3A_168, %min3A_162 : vector<16xi32>
        %gather3A_170 = tpu.vector_load_idx %arg20[%add3A_169] : memref<10710xf32, #tpu.memory_space<vmem>>[vector<16xi32>], vector<16xf32>,
        %add3A_171 = arith.constant 1 : i32
        %add3A_172 = vector.broadcast %add3A_171 : i32 to vector<16xi32>
        %add3A_173 = arith.addi %add3A_169, %add3A_172 : vector<16xi32>
        %gather3A_174 = tpu.vector_load_idx %arg20[%add3A_173] : memref<10710xf32, #tpu.memory_space<vmem>>[vector<16xi32>], vector<16xf32>,
        %sub3A_175 = arith.subf %gather3A_174, %gather3A_170 : vector<16xf32>
        %mul3A_176 = arith.mulf %sub3A_164, %sub3A_175 : vector<16xf32>
        %add3A_177 = arith.addf %gather3A_170, %mul3A_176 : vector<16xf32>
        %sub3A_178 = arith.constant 2.700000e+00 : f32
        %sub3A_179 = vector.broadcast %sub3A_178 : f32 to vector<16xf32>
        %sub3A_180 = arith.subf %add3A_177, %sub3A_179 : vector<16xf32>
        %gt3A = arith.constant 2 : i32
        %gt3A_181 = vector.broadcast %gt3A : i32 to vector<16xi32>
        %gt3A_182 = arith.cmpi sgt, %sub3A_150, %gt3A_181 : vector<16xi32>
        %lt3A = arith.constant 2.000000e+01 : f32
        %lt3A_183 = vector.broadcast %lt3A : f32 to vector<16xf32>
        %lt3A_184 = arith.cmpf olt, %add3A_149, %lt3A_183 : vector<16xf32>
        %and3A_185 = arith.andi %gt3A_182, %lt3A_184 : vector<16xi1>
        %jit3A_186 = arith.constant 0.000000e+00 : f32
        %broadcast_in_dim3A_187 = vector.broadcast %jit3A_186 : f32 to vector<16xf32>
        %select_n3A_188 = arith.select %and3A_185, %sub3A_180, %broadcast_in_dim3A_187 : vector<16xi1>, vector<16xf32>
        %add3A_189 = arith.addf %while3A_101, %select_n3A_188 : vector<16xf32>
        %add3A_190 = arith.constant 16 : i32
        %add3A_191 = arith.addi %mul3A_103, %add3A_190 : i32
        %get3A_192 = arith.index_cast %add3A_191 : i32 to index
        %get3A_193 = tpu.vector_load %arg12[%get3A_192] {strides = array<i32>} : memref<4096xf32, #tpu.memory_space<vmem>>, vector<16xf32>,
        %get3A_194 = arith.index_cast %add3A_191 : i32 to index
        %get3A_195 = tpu.vector_load %arg13[%get3A_194] {strides = array<i32>} : memref<4096xf32, #tpu.memory_space<vmem>>, vector<16xf32>,
        %get3A_196 = arith.index_cast %add3A_191 : i32 to index
        %get3A_197 = tpu.vector_load %arg14[%get3A_196] {strides = array<i32>} : memref<4096xf32, #tpu.memory_space<vmem>>, vector<16xf32>,
        %get3A_198 = arith.index_cast %add3A_191 : i32 to index
        %get3A_199 = tpu.vector_load %arg17[%get3A_198] {strides = array<i32>} : memref<4096xi32, #tpu.memory_space<vmem>>, vector<16xi32>,
        %get3A_200 = arith.index_cast %add3A_191 : i32 to index
        %get3A_201 = tpu.vector_load %arg16[%get3A_200] {strides = array<i32>} : memref<4096xi32, #tpu.memory_space<vmem>>, vector<16xi32>,
        %sub3A_202 = arith.subf %gather3A_56, %get3A_193 : vector<16xf32>
        %sub3A_203 = arith.subf %gather3A_57, %get3A_195 : vector<16xf32>
        %sub3A_204 = arith.subf %gather3A_58, %get3A_197 : vector<16xf32>
        %mul3A_205 = arith.mulf %sub3A_202, %sub3A_202 : vector<16xf32>
        %mul3A_206 = arith.mulf %sub3A_203, %sub3A_203 : vector<16xf32>
        %add3A_207 = arith.addf %mul3A_205, %mul3A_206 : vector<16xf32>
        %mul3A_208 = arith.mulf %sub3A_204, %sub3A_204 : vector<16xf32>
        %add3A_209 = arith.addf %add3A_207, %mul3A_208 : vector<16xf32>
        %max3A_210 = arith.constant 9.99999996E-13 : f32
        %max3A_211 = vector.broadcast %max3A_210 : f32 to vector<16xf32>
        %max3A_212 = arith.maximumf %add3A_209, %max3A_211 : vector<16xf32>
        %bitcast_convert_type3A_213 = tpu.bitcast %max3A_212 : vector<16xf32> -> vector<16xi32>
        %shift_right_arithmetic3A_214 = arith.constant 1 : i32
        %shift_right_arithmetic3A_215 = vector.broadcast %shift_right_arithmetic3A_214 : i32 to vector<16xi32>
        %shift_right_arithmetic3A_216 = arith.shrsi %bitcast_convert_type3A_213, %shift_right_arithmetic3A_215 : vector<16xi32>
        %sub3A_217 = arith.constant 1597463007 : i32
        %sub3A_218 = vector.broadcast %sub3A_217 : i32 to vector<16xi32>
        %sub3A_219 = arith.subi %sub3A_218, %shift_right_arithmetic3A_216 : vector<16xi32>
        %bitcast_convert_type3A_220 = tpu.bitcast %sub3A_219 : vector<16xi32> -> vector<16xf32>
        %mul3A_221 = arith.constant 5.000000e-01 : f32
        %mul3A_222 = vector.broadcast %mul3A_221 : f32 to vector<16xf32>
        %mul3A_223 = arith.mulf %mul3A_222, %max3A_212 : vector<16xf32>
        %mul3A_224 = arith.mulf %mul3A_223, %bitcast_convert_type3A_220 : vector<16xf32>
        %mul3A_225 = arith.mulf %mul3A_224, %bitcast_convert_type3A_220 : vector<16xf32>
        %sub3A_226 = arith.constant 1.500000e+00 : f32
        %sub3A_227 = vector.broadcast %sub3A_226 : f32 to vector<16xf32>
        %sub3A_228 = arith.subf %sub3A_227, %mul3A_225 : vector<16xf32>
        %mul3A_229 = arith.mulf %bitcast_convert_type3A_220, %sub3A_228 : vector<16xf32>
        %mul3A_230 = arith.mulf %mul3A_223, %mul3A_229 : vector<16xf32>
        %mul3A_231 = arith.mulf %mul3A_230, %mul3A_229 : vector<16xf32>
        %sub3A_232 = arith.constant 1.500000e+00 : f32
        %sub3A_233 = vector.broadcast %sub3A_232 : f32 to vector<16xf32>
        %sub3A_234 = arith.subf %sub3A_233, %mul3A_231 : vector<16xf32>
        %mul3A_235 = arith.mulf %mul3A_229, %sub3A_234 : vector<16xf32>
        %mul3A_236 = arith.mulf %max3A_212, %mul3A_235 : vector<16xf32>
        %add3A_237 = arith.constant 9.99999993E-9 : f32
        %add3A_238 = vector.broadcast %add3A_237 : f32 to vector<16xf32>
        %add3A_239 = arith.addf %mul3A_236, %add3A_238 : vector<16xf32>
        %sub3A_240 = arith.subi %get3A_199, %gather3A_59 : vector<16xi32>
        %sub3A_241 = arith.constant 1 : i32
        %sub3A_242 = vector.broadcast %sub3A_241 : i32 to vector<16xi32>
        %sub3A_243 = arith.subi %sub3A_240, %sub3A_242 : vector<16xi32>
        %jit3A_244 = arith.constant 0 : i32
        %jit3A_245 = arith.constant 5 : i32
        %max3A_246 = vector.broadcast %jit3A_244 : i32 to vector<16xi32>
        %max3A_247 = arith.maxsi %max3A_246, %sub3A_243 : vector<16xi32>
        %min3A_248 = vector.broadcast %jit3A_245 : i32 to vector<16xi32>
        %min3A_249 = arith.minsi %min3A_248, %max3A_247 : vector<16xi32>
        %convert_element_type3A_250 = arith.fptosi %add3A_239 : vector<16xf32> to vector<16xi32>
        %min3A_251 = arith.constant 19 : i32
        %min3A_252 = vector.broadcast %min3A_251 : i32 to vector<16xi32>
        %min3A_253 = arith.minsi %convert_element_type3A_250, %min3A_252 : vector<16xi32>
        %convert_element_type3A_254 = arith.sitofp %min3A_253 : vector<16xi32> to vector<16xf32>
        %sub3A_255 = arith.subf %add3A_239, %convert_element_type3A_254 : vector<16xf32>
        %mul3A_256 = arith.constant 1785 : i32
        %mul3A_257 = vector.broadcast %mul3A_256 : i32 to vector<16xi32>
        %mul3A_258 = arith.muli %min3A_249, %mul3A_257 : vector<16xi32>
        %add3A_259 = arith.addi %mul3A_258, %get3A_201 : vector<16xi32>
        %add3A_260 = arith.addi %add3A_259, %min3A_253 : vector<16xi32>
        %gather3A_261 = tpu.vector_load_idx %arg20[%add3A_260] : memref<10710xf32, #tpu.memory_space<vmem>>[vector<16xi32>], vector<16xf32>,
        %add3A_262 = arith.constant 1 : i32
        %add3A_263 = vector.broadcast %add3A_262 : i32 to vector<16xi32>
        %add3A_264 = arith.addi %add3A_260, %add3A_263 : vector<16xi32>
        %gather3A_265 = tpu.vector_load_idx %arg20[%add3A_264] : memref<10710xf32, #tpu.memory_space<vmem>>[vector<16xi32>], vector<16xf32>,
        %sub3A_266 = arith.subf %gather3A_265, %gather3A_261 : vector<16xf32>
        %mul3A_267 = arith.mulf %sub3A_255, %sub3A_266 : vector<16xf32>
        %add3A_268 = arith.addf %gather3A_261, %mul3A_267 : vector<16xf32>
        %sub3A_269 = arith.constant 2.700000e+00 : f32
        %sub3A_270 = vector.broadcast %sub3A_269 : f32 to vector<16xf32>
        %sub3A_271 = arith.subf %add3A_268, %sub3A_270 : vector<16xf32>
        %gt3A_272 = arith.constant 2 : i32
        %gt3A_273 = vector.broadcast %gt3A_272 : i32 to vector<16xi32>
        %gt3A_274 = arith.cmpi sgt, %sub3A_240, %gt3A_273 : vector<16xi32>
        %lt3A_275 = arith.constant 2.000000e+01 : f32
        %lt3A_276 = vector.broadcast %lt3A_275 : f32 to vector<16xf32>
        %lt3A_277 = arith.cmpf olt, %add3A_239, %lt3A_276 : vector<16xf32>
        %and3A_278 = arith.andi %gt3A_274, %lt3A_277 : vector<16xi1>
        %jit3A_279 = arith.constant 0.000000e+00 : f32
        %broadcast_in_dim3A_280 = vector.broadcast %jit3A_279 : f32 to vector<16xf32>
        %select_n3A_281 = arith.select %and3A_278, %sub3A_271, %broadcast_in_dim3A_280 : vector<16xi1>, vector<16xf32>
        %add3A_282 = arith.addf %add3A_189, %select_n3A_281 : vector<16xf32>
        %add3A_283 = arith.constant 32 : i32
        %add3A_284 = arith.addi %mul3A_103, %add3A_283 : i32
        %get3A_285 = arith.index_cast %add3A_284 : i32 to index
        %get3A_286 = tpu.vector_load %arg12[%get3A_285] {strides = array<i32>} : memref<4096xf32, #tpu.memory_space<vmem>>, vector<16xf32>,
        %get3A_287 = arith.index_cast %add3A_284 : i32 to index
        %get3A_288 = tpu.vector_load %arg13[%get3A_287] {strides = array<i32>} : memref<4096xf32, #tpu.memory_space<vmem>>, vector<16xf32>,
        %get3A_289 = arith.index_cast %add3A_284 : i32 to index
        %get3A_290 = tpu.vector_load %arg14[%get3A_289] {strides = array<i32>} : memref<4096xf32, #tpu.memory_space<vmem>>, vector<16xf32>,
        %get3A_291 = arith.index_cast %add3A_284 : i32 to index
        %get3A_292 = tpu.vector_load %arg17[%get3A_291] {strides = array<i32>} : memref<4096xi32, #tpu.memory_space<vmem>>, vector<16xi32>,
        %get3A_293 = arith.index_cast %add3A_284 : i32 to index
        %get3A_294 = tpu.vector_load %arg16[%get3A_293] {strides = array<i32>} : memref<4096xi32, #tpu.memory_space<vmem>>, vector<16xi32>,
        %sub3A_295 = arith.subf %gather3A_56, %get3A_286 : vector<16xf32>
        %sub3A_296 = arith.subf %gather3A_57, %get3A_288 : vector<16xf32>
        %sub3A_297 = arith.subf %gather3A_58, %get3A_290 : vector<16xf32>
        %mul3A_298 = arith.mulf %sub3A_295, %sub3A_295 : vector<16xf32>
        %mul3A_299 = arith.mulf %sub3A_296, %sub3A_296 : vector<16xf32>
        %add3A_300 = arith.addf %mul3A_298, %mul3A_299 : vector<16xf32>
        %mul3A_301 = arith.mulf %sub3A_297, %sub3A_297 : vector<16xf32>
        %add3A_302 = arith.addf %add3A_300, %mul3A_301 : vector<16xf32>
        %max3A_303 = arith.constant 9.99999996E-13 : f32
        %max3A_304 = vector.broadcast %max3A_303 : f32 to vector<16xf32>
        %max3A_305 = arith.maximumf %add3A_302, %max3A_304 : vector<16xf32>
        %bitcast_convert_type3A_306 = tpu.bitcast %max3A_305 : vector<16xf32> -> vector<16xi32>
        %shift_right_arithmetic3A_307 = arith.constant 1 : i32
        %shift_right_arithmetic3A_308 = vector.broadcast %shift_right_arithmetic3A_307 : i32 to vector<16xi32>
        %shift_right_arithmetic3A_309 = arith.shrsi %bitcast_convert_type3A_306, %shift_right_arithmetic3A_308 : vector<16xi32>
        %sub3A_310 = arith.constant 1597463007 : i32
        %sub3A_311 = vector.broadcast %sub3A_310 : i32 to vector<16xi32>
        %sub3A_312 = arith.subi %sub3A_311, %shift_right_arithmetic3A_309 : vector<16xi32>
        %bitcast_convert_type3A_313 = tpu.bitcast %sub3A_312 : vector<16xi32> -> vector<16xf32>
        %mul3A_314 = arith.constant 5.000000e-01 : f32
        %mul3A_315 = vector.broadcast %mul3A_314 : f32 to vector<16xf32>
        %mul3A_316 = arith.mulf %mul3A_315, %max3A_305 : vector<16xf32>
        %mul3A_317 = arith.mulf %mul3A_316, %bitcast_convert_type3A_313 : vector<16xf32>
        %mul3A_318 = arith.mulf %mul3A_317, %bitcast_convert_type3A_313 : vector<16xf32>
        %sub3A_319 = arith.constant 1.500000e+00 : f32
        %sub3A_320 = vector.broadcast %sub3A_319 : f32 to vector<16xf32>
        %sub3A_321 = arith.subf %sub3A_320, %mul3A_318 : vector<16xf32>
        %mul3A_322 = arith.mulf %bitcast_convert_type3A_313, %sub3A_321 : vector<16xf32>
        %mul3A_323 = arith.mulf %mul3A_316, %mul3A_322 : vector<16xf32>
        %mul3A_324 = arith.mulf %mul3A_323, %mul3A_322 : vector<16xf32>
        %sub3A_325 = arith.constant 1.500000e+00 : f32
        %sub3A_326 = vector.broadcast %sub3A_325 : f32 to vector<16xf32>
        %sub3A_327 = arith.subf %sub3A_326, %mul3A_324 : vector<16xf32>
        %mul3A_328 = arith.mulf %mul3A_322, %sub3A_327 : vector<16xf32>
        %mul3A_329 = arith.mulf %max3A_305, %mul3A_328 : vector<16xf32>
        %add3A_330 = arith.constant 9.99999993E-9 : f32
        %add3A_331 = vector.broadcast %add3A_330 : f32 to vector<16xf32>
        %add3A_332 = arith.addf %mul3A_329, %add3A_331 : vector<16xf32>
        %sub3A_333 = arith.subi %get3A_292, %gather3A_59 : vector<16xi32>
        %sub3A_334 = arith.constant 1 : i32
        %sub3A_335 = vector.broadcast %sub3A_334 : i32 to vector<16xi32>
        %sub3A_336 = arith.subi %sub3A_333, %sub3A_335 : vector<16xi32>
        %jit3A_337 = arith.constant 0 : i32
        %jit3A_338 = arith.constant 5 : i32
        %max3A_339 = vector.broadcast %jit3A_337 : i32 to vector<16xi32>
        %max3A_340 = arith.maxsi %max3A_339, %sub3A_336 : vector<16xi32>
        %min3A_341 = vector.broadcast %jit3A_338 : i32 to vector<16xi32>
        %min3A_342 = arith.minsi %min3A_341, %max3A_340 : vector<16xi32>
        %convert_element_type3A_343 = arith.fptosi %add3A_332 : vector<16xf32> to vector<16xi32>
        %min3A_344 = arith.constant 19 : i32
        %min3A_345 = vector.broadcast %min3A_344 : i32 to vector<16xi32>
        %min3A_346 = arith.minsi %convert_element_type3A_343, %min3A_345 : vector<16xi32>
        %convert_element_type3A_347 = arith.sitofp %min3A_346 : vector<16xi32> to vector<16xf32>
        %sub3A_348 = arith.subf %add3A_332, %convert_element_type3A_347 : vector<16xf32>
        %mul3A_349 = arith.constant 1785 : i32
        %mul3A_350 = vector.broadcast %mul3A_349 : i32 to vector<16xi32>
        %mul3A_351 = arith.muli %min3A_342, %mul3A_350 : vector<16xi32>
        %add3A_352 = arith.addi %mul3A_351, %get3A_294 : vector<16xi32>
        %add3A_353 = arith.addi %add3A_352, %min3A_346 : vector<16xi32>
        %gather3A_354 = tpu.vector_load_idx %arg20[%add3A_353] : memref<10710xf32, #tpu.memory_space<vmem>>[vector<16xi32>], vector<16xf32>,
        %add3A_355 = arith.constant 1 : i32
        %add3A_356 = vector.broadcast %add3A_355 : i32 to vector<16xi32>
        %add3A_357 = arith.addi %add3A_353, %add3A_356 : vector<16xi32>
        %gather3A_358 = tpu.vector_load_idx %arg20[%add3A_357] : memref<10710xf32, #tpu.memory_space<vmem>>[vector<16xi32>], vector<16xf32>,
        %sub3A_359 = arith.subf %gather3A_358, %gather3A_354 : vector<16xf32>
        %mul3A_360 = arith.mulf %sub3A_348, %sub3A_359 : vector<16xf32>
        %add3A_361 = arith.addf %gather3A_354, %mul3A_360 : vector<16xf32>
        %sub3A_362 = arith.constant 2.700000e+00 : f32
        %sub3A_363 = vector.broadcast %sub3A_362 : f32 to vector<16xf32>
        %sub3A_364 = arith.subf %add3A_361, %sub3A_363 : vector<16xf32>
        %gt3A_365 = arith.constant 2 : i32
        %gt3A_366 = vector.broadcast %gt3A_365 : i32 to vector<16xi32>
        %gt3A_367 = arith.cmpi sgt, %sub3A_333, %gt3A_366 : vector<16xi32>
        %lt3A_368 = arith.constant 2.000000e+01 : f32
        %lt3A_369 = vector.broadcast %lt3A_368 : f32 to vector<16xf32>
        %lt3A_370 = arith.cmpf olt, %add3A_332, %lt3A_369 : vector<16xf32>
        %and3A_371 = arith.andi %gt3A_367, %lt3A_370 : vector<16xi1>
        %jit3A_372 = arith.constant 0.000000e+00 : f32
        %broadcast_in_dim3A_373 = vector.broadcast %jit3A_372 : f32 to vector<16xf32>
        %select_n3A_374 = arith.select %and3A_371, %sub3A_364, %broadcast_in_dim3A_373 : vector<16xi1>, vector<16xf32>
        %add3A_375 = arith.addf %add3A_282, %select_n3A_374 : vector<16xf32>
        %add3A_376 = arith.constant 48 : i32
        %add3A_377 = arith.addi %mul3A_103, %add3A_376 : i32
        %get3A_378 = arith.index_cast %add3A_377 : i32 to index
        %get3A_379 = tpu.vector_load %arg12[%get3A_378] {strides = array<i32>} : memref<4096xf32, #tpu.memory_space<vmem>>, vector<16xf32>,
        %get3A_380 = arith.index_cast %add3A_377 : i32 to index
        %get3A_381 = tpu.vector_load %arg13[%get3A_380] {strides = array<i32>} : memref<4096xf32, #tpu.memory_space<vmem>>, vector<16xf32>,
        %get3A_382 = arith.index_cast %add3A_377 : i32 to index
        %get3A_383 = tpu.vector_load %arg14[%get3A_382] {strides = array<i32>} : memref<4096xf32, #tpu.memory_space<vmem>>, vector<16xf32>,
        %get3A_384 = arith.index_cast %add3A_377 : i32 to index
        %get3A_385 = tpu.vector_load %arg17[%get3A_384] {strides = array<i32>} : memref<4096xi32, #tpu.memory_space<vmem>>, vector<16xi32>,
        %get3A_386 = arith.index_cast %add3A_377 : i32 to index
        %get3A_387 = tpu.vector_load %arg16[%get3A_386] {strides = array<i32>} : memref<4096xi32, #tpu.memory_space<vmem>>, vector<16xi32>,
        %sub3A_388 = arith.subf %gather3A_56, %get3A_379 : vector<16xf32>
        %sub3A_389 = arith.subf %gather3A_57, %get3A_381 : vector<16xf32>
        %sub3A_390 = arith.subf %gather3A_58, %get3A_383 : vector<16xf32>
        %mul3A_391 = arith.mulf %sub3A_388, %sub3A_388 : vector<16xf32>
        %mul3A_392 = arith.mulf %sub3A_389, %sub3A_389 : vector<16xf32>
        %add3A_393 = arith.addf %mul3A_391, %mul3A_392 : vector<16xf32>
        %mul3A_394 = arith.mulf %sub3A_390, %sub3A_390 : vector<16xf32>
        %add3A_395 = arith.addf %add3A_393, %mul3A_394 : vector<16xf32>
        %max3A_396 = arith.constant 9.99999996E-13 : f32
        %max3A_397 = vector.broadcast %max3A_396 : f32 to vector<16xf32>
        %max3A_398 = arith.maximumf %add3A_395, %max3A_397 : vector<16xf32>
        %bitcast_convert_type3A_399 = tpu.bitcast %max3A_398 : vector<16xf32> -> vector<16xi32>
        %shift_right_arithmetic3A_400 = arith.constant 1 : i32
        %shift_right_arithmetic3A_401 = vector.broadcast %shift_right_arithmetic3A_400 : i32 to vector<16xi32>
        %shift_right_arithmetic3A_402 = arith.shrsi %bitcast_convert_type3A_399, %shift_right_arithmetic3A_401 : vector<16xi32>
        %sub3A_403 = arith.constant 1597463007 : i32
        %sub3A_404 = vector.broadcast %sub3A_403 : i32 to vector<16xi32>
        %sub3A_405 = arith.subi %sub3A_404, %shift_right_arithmetic3A_402 : vector<16xi32>
        %bitcast_convert_type3A_406 = tpu.bitcast %sub3A_405 : vector<16xi32> -> vector<16xf32>
        %mul3A_407 = arith.constant 5.000000e-01 : f32
        %mul3A_408 = vector.broadcast %mul3A_407 : f32 to vector<16xf32>
        %mul3A_409 = arith.mulf %mul3A_408, %max3A_398 : vector<16xf32>
        %mul3A_410 = arith.mulf %mul3A_409, %bitcast_convert_type3A_406 : vector<16xf32>
        %mul3A_411 = arith.mulf %mul3A_410, %bitcast_convert_type3A_406 : vector<16xf32>
        %sub3A_412 = arith.constant 1.500000e+00 : f32
        %sub3A_413 = vector.broadcast %sub3A_412 : f32 to vector<16xf32>
        %sub3A_414 = arith.subf %sub3A_413, %mul3A_411 : vector<16xf32>
        %mul3A_415 = arith.mulf %bitcast_convert_type3A_406, %sub3A_414 : vector<16xf32>
        %mul3A_416 = arith.mulf %mul3A_409, %mul3A_415 : vector<16xf32>
        %mul3A_417 = arith.mulf %mul3A_416, %mul3A_415 : vector<16xf32>
        %sub3A_418 = arith.constant 1.500000e+00 : f32
        %sub3A_419 = vector.broadcast %sub3A_418 : f32 to vector<16xf32>
        %sub3A_420 = arith.subf %sub3A_419, %mul3A_417 : vector<16xf32>
        %mul3A_421 = arith.mulf %mul3A_415, %sub3A_420 : vector<16xf32>
        %mul3A_422 = arith.mulf %max3A_398, %mul3A_421 : vector<16xf32>
        %add3A_423 = arith.constant 9.99999993E-9 : f32
        %add3A_424 = vector.broadcast %add3A_423 : f32 to vector<16xf32>
        %add3A_425 = arith.addf %mul3A_422, %add3A_424 : vector<16xf32>
        %sub3A_426 = arith.subi %get3A_385, %gather3A_59 : vector<16xi32>
        %sub3A_427 = arith.constant 1 : i32
        %sub3A_428 = vector.broadcast %sub3A_427 : i32 to vector<16xi32>
        %sub3A_429 = arith.subi %sub3A_426, %sub3A_428 : vector<16xi32>
        %jit3A_430 = arith.constant 0 : i32
        %jit3A_431 = arith.constant 5 : i32
        %max3A_432 = vector.broadcast %jit3A_430 : i32 to vector<16xi32>
        %max3A_433 = arith.maxsi %max3A_432, %sub3A_429 : vector<16xi32>
        %min3A_434 = vector.broadcast %jit3A_431 : i32 to vector<16xi32>
        %min3A_435 = arith.minsi %min3A_434, %max3A_433 : vector<16xi32>
        %convert_element_type3A_436 = arith.fptosi %add3A_425 : vector<16xf32> to vector<16xi32>
        %min3A_437 = arith.constant 19 : i32
        %min3A_438 = vector.broadcast %min3A_437 : i32 to vector<16xi32>
        %min3A_439 = arith.minsi %convert_element_type3A_436, %min3A_438 : vector<16xi32>
        %convert_element_type3A_440 = arith.sitofp %min3A_439 : vector<16xi32> to vector<16xf32>
        %sub3A_441 = arith.subf %add3A_425, %convert_element_type3A_440 : vector<16xf32>
        %mul3A_442 = arith.constant 1785 : i32
        %mul3A_443 = vector.broadcast %mul3A_442 : i32 to vector<16xi32>
        %mul3A_444 = arith.muli %min3A_435, %mul3A_443 : vector<16xi32>
        %add3A_445 = arith.addi %mul3A_444, %get3A_387 : vector<16xi32>
        %add3A_446 = arith.addi %add3A_445, %min3A_439 : vector<16xi32>
        %gather3A_447 = tpu.vector_load_idx %arg20[%add3A_446] : memref<10710xf32, #tpu.memory_space<vmem>>[vector<16xi32>], vector<16xf32>,
        %add3A_448 = arith.constant 1 : i32
        %add3A_449 = vector.broadcast %add3A_448 : i32 to vector<16xi32>
        %add3A_450 = arith.addi %add3A_446, %add3A_449 : vector<16xi32>
        %gather3A_451 = tpu.vector_load_idx %arg20[%add3A_450] : memref<10710xf32, #tpu.memory_space<vmem>>[vector<16xi32>], vector<16xf32>,
        %sub3A_452 = arith.subf %gather3A_451, %gather3A_447 : vector<16xf32>
        %mul3A_453 = arith.mulf %sub3A_441, %sub3A_452 : vector<16xf32>
        %add3A_454 = arith.addf %gather3A_447, %mul3A_453 : vector<16xf32>
        %sub3A_455 = arith.constant 2.700000e+00 : f32
        %sub3A_456 = vector.broadcast %sub3A_455 : f32 to vector<16xf32>
        %sub3A_457 = arith.subf %add3A_454, %sub3A_456 : vector<16xf32>
        %gt3A_458 = arith.constant 2 : i32
        %gt3A_459 = vector.broadcast %gt3A_458 : i32 to vector<16xi32>
        %gt3A_460 = arith.cmpi sgt, %sub3A_426, %gt3A_459 : vector<16xi32>
        %lt3A_461 = arith.constant 2.000000e+01 : f32
        %lt3A_462 = vector.broadcast %lt3A_461 : f32 to vector<16xf32>
        %lt3A_463 = arith.cmpf olt, %add3A_425, %lt3A_462 : vector<16xf32>
        %and3A_464 = arith.andi %gt3A_460, %lt3A_463 : vector<16xi1>
        %jit3A_465 = arith.constant 0.000000e+00 : f32
        %broadcast_in_dim3A_466 = vector.broadcast %jit3A_465 : f32 to vector<16xf32>
        %select_n3A_467 = arith.select %and3A_464, %sub3A_457, %broadcast_in_dim3A_466 : vector<16xi1>, vector<16xf32>
        %add3A_468 = arith.addf %add3A_375, %select_n3A_467 : vector<16xf32>
        scf.yield %add3A_468 : vector<16xf32>
      }
      scf.yield %while3A_99, %reduce_max3A_68 : vector<16xf32>, i32
    }
    %swap3A = arith.constant 0 : index
    %swap3A_35 = tpu.vector_load %arg21[%swap3A] {strides = array<i32>} : memref<16xf32, #tpu.memory_space<vmem>>, vector<16xf32>,
    tpu.vector_store %arg21[%swap3A], %while3A_34#0 {strides = array<i32>} : memref<16xf32, #tpu.memory_space<vmem>>, vector<16xf32>,
    "tpu.region"() ({
      %run_scoped3A = tpu.sem_alloc : memref<!tpu.dma_semaphore, #tpu.memory_space<semaphore_mem>>
      %dma_start3A = arith.constant 0 : i32
      %dma_start3A_36 = tpu.memref_slice %arg11[%add3A, %dma_start3A] : memref<32x16xf32, #tpu.memory_space<hbm>> -> memref<1x16xf32, #tpu.memory_space<hbm>>
      %dma_start3A_37 = tpu.memref_squeeze %dma_start3A_36 : memref<1x16xf32, #tpu.memory_space<hbm>> -> memref<16xf32, #tpu.memory_space<hbm>>
      %dma_start3A_38 = arith.constant 0 : i32
      %dma_start3A_39 = tpu.memref_slice %arg11[%add3A, %dma_start3A_38] : memref<32x16xf32, #tpu.memory_space<hbm>> -> memref<1x16xf32, #tpu.memory_space<hbm>>
      %dma_start3A_40 = tpu.memref_squeeze %dma_start3A_39 : memref<1x16xf32, #tpu.memory_space<hbm>> -> memref<16xf32, #tpu.memory_space<hbm>>
      tpu.enqueue_dma source(%arg21 : memref<16xf32, #tpu.memory_space<vmem>>) target(%dma_start3A_40 : memref<16xf32, #tpu.memory_space<hbm>>) target_semaphore(%run_scoped3A : memref<!tpu.dma_semaphore, #tpu.memory_space<semaphore_mem>>)
      %dma_wait3A = arith.constant 0 : i32
      %dma_wait3A_41 = tpu.memref_slice %arg11[%add3A, %dma_wait3A] : memref<32x16xf32, #tpu.memory_space<hbm>> -> memref<1x16xf32, #tpu.memory_space<hbm>>
      %dma_wait3A_42 = tpu.memref_squeeze %dma_wait3A_41 : memref<1x16xf32, #tpu.memory_space<hbm>> -> memref<16xf32, #tpu.memory_space<hbm>>
      %dma_wait3A_43 = arith.constant 0 : i32
      %dma_wait3A_44 = tpu.memref_slice %arg11[%add3A, %dma_wait3A_43] : memref<32x16xf32, #tpu.memory_space<hbm>> -> memref<1x16xf32, #tpu.memory_space<hbm>>
      %dma_wait3A_45 = tpu.memref_squeeze %dma_wait3A_44 : memref<1x16xf32, #tpu.memory_space<hbm>> -> memref<16xf32, #tpu.memory_space<hbm>>
      tpu.wait_dma2 semaphore(%run_scoped3A : memref<!tpu.dma_semaphore, #tpu.memory_space<semaphore_mem>>) src(%arg21 : memref<16xf32, #tpu.memory_space<vmem>>) dst(%dma_wait3A_45 : memref<16xf32, #tpu.memory_space<hbm>>)
      tpu.yield
    }) : () -> ()
    return
  }
}

</mosaic_0001>

<sc_bundles>
// kernel: kernel.3.cloned.1.call-start
scs
__scs_entry_jumppad:
0x0: {  	(pc) =	sbr.rel $0x88, $3  }
0x1: {  	(tag) =	ssettag $0x0;
	lr =	simm.s32 $0x1  }
0x2: {  	[smem:$0x3F9D] =	sst lr;
	_ =	strace $0xD0000000  }
0x3: {  	_ = 	snop  }
0x4: {  	_ = 	snop  }
0x5: {  	_ = 	snop  }
0x6: {  	_ = 	snop  }
0x7: {  	_ = 	snop  }
__scs_overlays_trampoline_lowered:
0x8: {  	[smem:$0x3FAC] =	sst s0  }
0x9: {  	[smem:$0x3FAD] =	sst s1  }
0xa: {  	[smem:$0x3FAE] =	sst s2  }
0xb: {  	[smem:$0x3FAF] =	sst s3  }
0xc: {  	[smem:$0x3FB0] =	sst s4  }
0xd: {  	[smem:$0x3FB1] =	sst s5  }
0xe: {  	[smem:$0x3FB2] =	sst s6  }
0xf: {  	[smem:$0x3FB3] =	sst s7  }
0x10: {  	[smem:$0x3FB4] =	sst s8  }
0x11: {  	[smem:$0x3FB5] =	sst s9;
	s0 =	simm.s32 @!p0 $0x0  }
0x12: {  	s1 =	sld [smem:$0x3F9B];
	s0 =	simm.s32 @p0 $0x1  }
0x13: {  	[smem:$0x3FB6] =	sst s0;
	s0 =	simm.s32 @!p1 $0x0  }
0x14: {  	s2 =	sld [smem:$0x3F9A];
	s0 =	simm.s32 @p1 $0x1  }
0x15: {  	[smem:$0x3FB7] =	sst s0;
	s0 =	simm.s32 @!p2 $0x0  }
0x16: {  	s3 =	sld [smem:$0x3FDB];
	s0 =	simm.s32 @p2 $0x1  }
0x17: {  	s4 =	simm.s32 $0x1BF5;
	[smem:$0x3FB9] =	sst s0  }
0x18: {  	s0 =	sld [smem:$0x3F9C];
	_ =	swait.ge [sflag:s4], $0x0  }
0x19: {  	s7 =	sld [smem:$0x3F9D]  }
0x1a: {  	s8 =	sadd.s32 $0xFFFFE003, lr  }
0x1b: {  	s9 =	sadd.s32 $0xFFFFFEF7, lr;
	s5 =	simm.s32 $0xFFFFFFFF;
	p2 =	slt.u32 s8, $0xFFFFF086  }
0x1c: {  	p1 =	slt.u32 s9, $0xF7A;
	s5 =	simm.s32 @!p2 $0x0  }
0x1d: {  	s5 =	simm.s32 @p1 $0x1;
	p0 =	seq.s32 s7, s2  }
0x1e: {  	s7 =	smul.u32 @!p0 $0xF7A, s2;
	p2 =	seq.s32 @!p0 s5, $0x0  }
0x1f: {  	s9 =	smul.u32 $0xF7A, s1;
	s8 =	simm.s32 @!p0 $0x1BF5;
	p2 =	por !p2, p0  }
0x20: {  	[sflag:s8] =	ssyncset.s32 @!p0 $0xFFFFF086;
	s6 =	sadd.s32 @!p0 s3, s7;
	s7 =	simm.s32 @!p0 $0x108  }
0x21: {  	s3 =	sadd.s32 s3, s9;
	s6 =	sadd.s32 @!p0 $0x88, s6;
	s7 =	simm.s32 @p2 $0x1082  }
0x22: {  	[simem:s7], [sflag:s8] =	dma.local @!p0 [hbm:s6], $0xF7A  }
0x23: {  	s9 =	sor.u32 $0xD0000000, s2;
	s6 =	simm.s32 $0x108;
	_ =	swait.ge @!p0 [sflag:s8], $0x0  }
0x24: {  	s3 =	sadd.s32 $0x88, s3;
	s6 =	simm.s32 @!p1 $0x1082;
	[sflag:s4] =	ssyncset.s32 $0xFFFFF086  }
0x25: {  	[simem:s6], [sflag:s4] =	dma.local [hbm:s3], $0xF7A  }
0x26: {  	[smem:$0x3F9D] =	sst s1;
	(tag) =	ssettag s2;
	_ =	strace s9  }
0x27: {  	s1 =	sld [smem:$0x3FAD]  }
0x28: {  	s2 =	sld [smem:$0x3FAE]  }
0x29: {  	s4 =	sld [smem:$0x3FB0]  }
0x2a: {  	p0 =	seq.s32 s5, $0x0;
	s5 =	sld [smem:$0x3FB1]  }
0x2b: {  	s6 =	sld [smem:$0x3FB2]  }
0x2c: {  	s7 =	sld [smem:$0x3FB3]  }
0x2d: {  	s3 =	simm.s32 $0x108;
	s8 =	sld [smem:$0x3FB4]  }
0x2e: {  	s3 =	simm.s32 @!p0 $0x1082;
	s9 =	sld [smem:$0x3FB5]  }
0x2f: {  	lr =	sadd.s32 s0, s3;
	s0 =	sld [smem:$0x3FAC]  }
0x30: {  	s3 =	sld [smem:$0x3FAF]  }
0x31: {  	[smem:$0x3FB8] =	sst s10  }
0x32: {  	s10 =	sld [smem:$0x3FB6];
	_ =	sdelay $0x3  }
0x33: {  	p0 =	seq.s32 s10, $0x1;
	s10 =	sld [smem:$0x3FB8];
	_ =	sdelay $0x3  }
0x34: {  	[smem:$0x3FB8] =	sst s10  }
0x35: {  	s10 =	sld [smem:$0x3FB7];
	_ =	sdelay $0x3  }
0x36: {  	p1 =	seq.s32 s10, $0x1;
	s10 =	sld [smem:$0x3FB8];
	_ =	sdelay $0x3  }
0x37: {  	[smem:$0x3FB8] =	sst s10  }
0x38: {  	s10 =	sld [smem:$0x3FB9]  }
0x39: {  	_ = 	snop;
	(pc) =	sbr.ind lr, $3  }
0x3a: {  	_ = 	snop  }
0x3b: {  	_ = 	snop  }
0x3c: {  	p2 =	seq.s32 s10, $0x1;
	s10 =	sld [smem:$0x3FB8]  }
0x3d: {  	_ =	shalt  }
0x3e: {  	_ =	shalt  }
0x3f: {  	_ =	shalt  }
0x40: {  	_ =	shalt  }
0x41: {  	_ =	shalt  }
0x42: {  	_ =	shalt  }
0x43: {  	_ =	shalt  }
0x44: {  	_ =	shalt  }
0x45: {  	_ =	shalt  }
0x46: {  	_ =	shalt  }
0x47: {  	_ =	shalt  }
0x48: {  	_ =	shalt  }
0x49: {  	_ =	shalt  }
0x4a: {  	_ =	shalt  }
0x4b: {  	_ =	shalt  }
0x4c: {  	_ =	shalt  }
0x4d: {  	_ =	shalt  }
0x4e: {  	_ =	shalt  }
0x4f: {  	_ =	shalt  }
0x50: {  	_ =	shalt  }
0x51: {  	_ =	shalt  }
0x52: {  	_ =	shalt  }
0x53: {  	_ =	shalt  }
0x54: {  	_ =	shalt  }
0x55: {  	_ =	shalt  }
0x56: {  	_ =	shalt  }
0x57: {  	_ =	shalt  }
0x58: {  	_ =	shalt  }
0x59: {  	_ =	shalt  }
0x5a: {  	_ =	shalt  }
0x5b: {  	_ =	shalt  }
0x5c: {  	_ =	shalt  }
0x5d: {  	_ =	shalt  }
0x5e: {  	_ =	shalt  }
0x5f: {  	_ =	shalt  }
0x60: {  	_ =	shalt  }
0x61: {  	_ =	shalt  }
0x62: {  	_ =	shalt  }
0x63: {  	_ =	shalt  }
0x64: {  	_ =	shalt  }
0x65: {  	_ =	shalt  }
0x66: {  	_ =	shalt  }
0x67: {  	_ =	shalt  }
0x68: {  	_ =	shalt  }
0x69: {  	_ =	shalt  }
0x6a: {  	_ =	shalt  }
0x6b: {  	_ =	shalt  }
0x6c: {  	_ =	shalt  }
0x6d: {  	_ =	shalt  }
0x6e: {  	_ =	shalt  }
0x6f: {  	_ =	shalt  }
0x70: {  	_ =	shalt  }
0x71: {  	_ =	shalt  }
0x72: {  	_ =	shalt  }
0x73: {  	_ =	shalt  }
0x74: {  	_ =	shalt  }
0x75: {  	_ =	shalt  }
0x76: {  	_ =	shalt  }
0x77: {  	_ =	shalt  }
0x78: {  	_ =	shalt  }
0x79: {  	_ =	shalt  }
0x7a: {  	_ =	shalt  }
0x7b: {  	_ =	shalt  }
0x7c: {  	_ =	shalt  }
0x7d: {  	_ =	shalt  }
0x7e: {  	_ =	shalt  }
0x7f: {  	_ =	shalt  }
0x80: {  	_ =	shalt  }
0x81: {  	_ =	shalt  }
0x82: {  	_ =	shalt  }
0x83: {  	_ =	shalt  }
0x84: {  	_ =	shalt  }
0x85: {  	_ =	shalt  }
0x86: {  	_ =	shalt  }
0x87: {  	_ =	shalt  }
.Lfunc_end0:
.L_simem_size_0:
called_computation_lowered:
.L_overlay_start_0:
0x88: {  	s2 =	sld [smem:$0x3FD9]  }
0x89: {  	s3 =	sld [smem:$0x3FFE];
	_ =	sdelay $0x1  }
0x8a: {  	s1 =	srdreg.scid  }
0x8b: {  	s0 =	sand.u32 $0x1, s1  }
0x8c: {  	s17 =	sshll.u32 s0, $0xA;
	s2 =	sadd.s32 s3, s2  }
0x8d: {  	s2 =	sadd.s32 s2, s17  }
0x8e: {  	[smem:$0x3FC4] =	sst s2  }
0x8f: {  	_ = 	snop  }
0x90: {  	s2 =	sld [smem:$0x3FC8]  }
0x91: {  	s18 =	sld [smem:$0x3FC7]  }
0x92: {  	s4 =	sld [smem:$0x3FD0];
	(tm) =	ssettm $0x1  }
0x93: {  	s5 =	sld [smem:$0x3FFB];
	_ =	sdelay $0x3  }
0x94: {  	_ =	strace s5  }
0x95: {  	s5 =	sld [smem:$0x3FFC];
	_ =	sdelay $0x3  }
0x96: {  	_ =	strace s5  }
0x97: {  	s5 =	sld [smem:$0x3FFD];
	_ =	sdelay $0x3  }
0x98: {  	_ =	strace s5  }
0x99: {  	_ =	strace $0x8FFFFFFF  }
0x9a: {  	s19 =	sld [smem:$0x3FDB];
	_ =	sdelay $0x1  }
0x9b: {  	s6 =	simm.s32 $_scs_section_size  }
0x9c: {  	s7 =	simm.s32 $_size__tile_overlayer_lowered;
	s8 =	simm.s32 $_tile_overlayer_lowered  }
0x9d: {  	s22 =	simm.s32 $0x1BFF;
	s21 =	sshll.u32 s8, $0x1;
	s5 =	sadd.s32 s6, s19  }
0x9e: {  	s9 =	simm.s32 $0x0;
	s20 =	sshll.u32 s7, $0x1;
	s7 =	sadd.s32 s21, s5  }
0x9f: {  	[timem:s9], [sflag:s22] =	dma.local [hbm:s7], s20  }
0xa0: {  	_ =	swait.ge [sflag:s22], s20  }
0xa1: {  	s6 =	ssub.s32 $0x0, s20;
	[sflag:s22] =	ssyncset.done $0x0  }
0xa2: {  	[sflag:s22] =	ssyncadd.s32 s6;
	_ =	sdelay $0x1  }
0xa3: {  	s23 =	simm.s32 $0x1B8B  }
0xa4: {  	_ =	swait.ge [sflag:s23], $0x1  }
0xa5: {  	[sflag:s23] =	ssyncset.done $0x0  }
0xa6: {  	s25 =	simm.s32 $0x1B8E;
	s24 =	sld [smem:$0x3FFE];
	[sflag:s23] =	ssyncadd.s32 $0xFFFFFFFF  }
0xa7: {  	s26 =	simm.s32 $execute0_lowered;
	[smem:$0x3FD2] =	sst s25  }
0xa8: {  	s7 =	sshll.u32 s26, $0x1;
	_ =	strace $0x80000046;
	[dreg:$0x1] =	wrdreg $0xFFFFFFFF  }
0xa9: {  	s28 =	simm.s32 $_size_execute0_lowered;
	s5 =	sadd.s32 s5, s7;
	[dreg:$0x0] =	wrdreg $0x0  }
0xaa: {  	s7 =	sshll.u32 s28, $0x1;
	[dreg:$0x2] =	wrdreg s5  }
0xab: {  	[dreg:$0x3] =	wrdreg s7  }
0xac: {  	[dreg:$0x4] =	wrdreg $0xC0  }
0xad: {  	_ =	task [dreg:s9], $0x5FFFF  }
0xae: {  	[dreg:$0x1] =	wrdreg $0xFFFFFFFF  }
0xaf: {  	[dreg:$0x0] =	wrdreg $0x60  }
0xb0: {  	[dreg:$0x2] =	wrdreg s24  }
0xb1: {  	[dreg:$0x3] =	wrdreg s2  }
0xb2: {  	[dreg:$0x4] =	wrdreg s18  }
0xb3: {  	[dreg:$0x5] =	wrdreg s4  }
0xb4: {  	[dreg:$0x6] =	wrdreg $0x9  }
0xb5: {  	_ =	task.clear_ibuf [dreg:s9], $0x7FFFF;
	_ =	strace $0x90000046  }
0xb6: {  	s29 =	simm.s32 $0x9;
	_ =	strace $0x80000048  }
0xb7: {  	_ =	swait.ge [sflag:s29], $0x1  }
0xb8: {  	[sflag:s29] =	ssyncadd.s32 $0xFFFFFFFF  }
0xb9: {  	_ =	strace $0x90000048  }
0xba: {  	_ =	sfence  }
0xbb: {  	s30 =	sld [smem:$0x0];
	_ =	sdelay $0x2  }
0xbc: {  	s31 =	sshll.u32 s1, $0xD;
	s1 =	sshrl.u32 s1, $0x2  }
0xbd: {  	s3 =	sand.u32 $0x4000, s31;
	s1 =	sadd.s32 s1, s30  }
0xbe: {  	s0 =	sor.u32 s3, s0;
	s1 =	sshll.u32 s1, $0x11  }
0xbf: {  	s0 =	sor.u32 s1, s0  }
0xc0: {  	s0 =	sadd.s32 $0x8F2B, s0  }
0xc1: {  	[sflag:s0] =	ssyncadd.remote.s32 $0x1  }
0xc2: {  	_ =	sfence.sel $0xFFFF  }
0xc3: {  	[dreg:$0x0] =	wrdreg $0xFFFFFFFF;
	(pc) =	sbr.abs _section_cstart, $3  }
0xc4: {  	[dreg:$0x1] =	wrdreg $0xFFFFFFFF  }
0xc5: {  	_ =	task.clear_ibuf [dreg:s9], $0x2FFFF;
	_ =	strace $0x9FFFFFFF  }
0xc6: {  	(tm) =	ssettm $0x7FFFFFFF  }
0xc7: {  	_ =	shalt  }
tec
execute0_lowered:
.L_overlay_start_1:
0x0: {  	(tag) =	ssettag $0x1  }
0x1: {  	s1 =	rddreg [dreg:$0x0]  }
0x2: {  	s4 =	rddreg [dreg:$0x3];
	s6 =	simm.s32 $0x0;
	s0 =	srdreg.scid  }
0x3: {  	s2 =	stileid.u32;
	s14 =	simm.s32 $0x1;
	s15 =	simm.s32 $0x1000  }
0x4: {  	s16 =	simm.s32 $0x2000;
	s17 =	simm.s32 $0x3000;
	s18 =	simm.s32 $0x4000  }
0x5: {  	s19 =	simm.s32 $0x5000;
	s20 =	simm.s32 $0x6000;
	s21 =	simm.s32 $0x7000  }
0x6: {  	s22 =	simm.s32 $0x7080;
	s23 =	simm.s32 $0x9A80;
	s24 =	simm.s32 $0x0  }
0x7: {  	[smem:$0x7FF] =	sst s6;
	s0 =	sand.u32 $0x1, s0;
	s2 =	sshll.u32 s2, $0x1  }
.Ltmp0:
0x8: {  	s7 =	sadd.s32 $0x800, s1;
	s8 =	sadd.s32 $0x600, s1;
	(pc) =	sbr.rel .LBB2_1-.Ltmp0, $4  }
0x9: {  	s9 =	sadd.s32 $0x400, s1;
	s2 =	sor.u32 s0, s2;
	s0 =	ssub.s32 $0x2, s0  }
0xa: {  	s10 =	sadd.s32 $0x200, s1;
	s3 =	sshll.u32 s2, $0x4;
	s5 =	sshrl.u32 s0, $0x1  }
0xb: {  	s11 =	sadd.s32 $0xA00, s1;
	v0 =	vmov s2;
	s3 =	sadd.s32 s3, s1;
	s0 =	ssub.s32 s0, s5  }
0xc: {  	_ =	strace $0x80000047;
	v1 =	vadd.s32 $0x1, v0;
	s12 =	sadd.s32 $0x1D800, s3;
	s13 =	smax.u32 s0, $0x1  }
.LBB2_11:
0xd: {  	s24 =	sadd.s32 $0x1, s24  }
0xe: {  	p0 =	sne.s32 s24, s13  }
.Ltmp1:
0xf: {  	[tilespmem:$0x9A80] =	vst v2;
	(pc) =	sbr.rel @!p0 .LBB2_12-.Ltmp1, $4  }
0x10: {  	[hbm4b:s12+s6] =	stream.linear.scatter [tilespmem:s23], [sflag:$0x1], $0x80, $0x38;
	[tilespmem:$0x9B00] =	vst v63  }
0x11: {  	_ =	swait.ge [sflag:s14], $0x80  }
0x12: {  	[sflag:s14] =	ssyncset.done $0x0  }
0x13: {  	[sflag:s14] =	ssyncadd.s32 $0xFFFFFF80  }
.LBB2_1:
0x14: {  	[tilespmem:s6], [sflag:$0x1] =	stream.linear.gather [hbm4b:s7+s6], $0x1000, $0x38;
	[tilespmem:$0x9B00] =	vst v63  }
0x15: {  	_ =	swait.ge [sflag:s14], $0x1000  }
0x16: {  	[sflag:s14] =	ssyncset.done $0x0  }
0x17: {  	[sflag:s14] =	ssyncadd.s32 $0xFFFFF000  }
0x18: {  	[tilespmem:s15], [sflag:$0x1] =	stream.linear.gather [hbm4b:s8+s6], $0x1000, $0x38;
	[tilespmem:$0x9B00] =	vst v63  }
0x19: {  	_ =	swait.ge [sflag:s14], $0x1000  }
0x1a: {  	[sflag:s14] =	ssyncset.done $0x0  }
0x1b: {  	[sflag:s14] =	ssyncadd.s32 $0xFFFFF000  }
0x1c: {  	[tilespmem:s16], [sflag:$0x1] =	stream.linear.gather [hbm4b:s9+s6], $0x1000, $0x38;
	[tilespmem:$0x9B00] =	vst v63  }
0x1d: {  	_ =	swait.ge [sflag:s14], $0x1000  }
0x1e: {  	[sflag:s14] =	ssyncset.done $0x0  }
0x1f: {  	[sflag:s14] =	ssyncadd.s32 $0xFFFFF000  }
0x20: {  	s0 =	rddreg [dreg:$0x1]  }
0x21: {  	[tilespmem:s17], [sflag:$0x1] =	stream.linear.gather [hbm4b:s0+s6], $0x1000, $0x38;
	[tilespmem:$0x9B00] =	vst v63  }
0x22: {  	_ =	swait.ge [sflag:s14], $0x1000  }
0x23: {  	[sflag:s14] =	ssyncset.done $0x0  }
0x24: {  	[sflag:s14] =	ssyncadd.s32 $0xFFFFF000  }
0x25: {  	[tilespmem:s18], [sflag:$0x1] =	stream.linear.gather [hbm4b:s1+s6], $0x1000, $0x38;
	[tilespmem:$0x9B00] =	vst v63  }
0x26: {  	_ =	swait.ge [sflag:s14], $0x1000  }
0x27: {  	[sflag:s14] =	ssyncset.done $0x0  }
0x28: {  	[sflag:s14] =	ssyncadd.s32 $0xFFFFF000  }
0x29: {  	s30 =	rddreg [dreg:$0x2]  }
0x2a: {  	[tilespmem:s19], [sflag:$0x1] =	stream.linear.gather [hbm4b:s30+s6], $0x1000, $0x38;
	[tilespmem:$0x9B00] =	vst v63  }
0x2b: {  	_ =	swait.ge [sflag:s14], $0x1000  }
0x2c: {  	[sflag:s14] =	ssyncset.done $0x0  }
0x2d: {  	[sflag:s14] =	ssyncadd.s32 $0xFFFFF000  }
0x2e: {  	[tilespmem:s20], [sflag:$0x1] =	stream.linear.gather [hbm4b:s10+s6], $0x1000, $0x38;
	[tilespmem:$0x9B00] =	vst v63  }
0x2f: {  	_ =	swait.ge [sflag:s14], $0x1000  }
0x30: {  	[sflag:s14] =	ssyncset.done $0x0  }
0x31: {  	[sflag:s14] =	ssyncadd.s32 $0xFFFFF000  }
0x32: {  	[tilespmem:s21], [sflag:$0x1] =	stream.linear.gather [hbm4b:s4+s6], $0x80, $0x38;
	[tilespmem:$0x9B00] =	vst v63  }
0x33: {  	_ =	swait.ge [sflag:s14], $0x80  }
0x34: {  	[sflag:s14] =	ssyncset.done $0x0  }
0x35: {  	[sflag:s14] =	ssyncadd.s32 $0xFFFFFF80  }
0x36: {  	v2 =	vld.idx.msk [tilespmem:v0+s21+$0x0], $0xffff  }
0x37: {  	v3 =	vld.idx.msk [tilespmem:v1+s21+$0x0], $0xffff;
	_ =	sdelay $0x3  }
0x38: {  	v2 =	vxor.u32 $0x80000000, v2  }
0x39: {  	(xrf0) =	vmax.scan.msk.u32 $0xffff, v2;
	v2 =	vxor.u32 $0x80000000, v3  }
0x3a: {  	(xrf0) =	vmax.scan.msk.u32 $0xffff, v2;
	_ =	sdelay $0x4  }
0x3b: {  	v2, _, _ =	vpop (xrf0)  }
0x3c: {  	(v2sf) =	vpush v2, $0xF;
	v2, _, _ =	vpop (xrf0)  }
0x3d: {  	(v2sf) =	vpush v2, $0xF;
	_ =	sdelay $0xd  }
0x3e: {  	s31 =	spop (v2sf)  }
0x3f: {  	s2 =	spop (v2sf)  }
0x40: {  	s25 =	sxor.u32 $0x80000000, s31;
	s26 =	sxor.u32 $0x80000000, s2  }
0x41: {  	p0 =	sge.s32 s25, s26  }
.Ltmp2:
0x42: {  	_ = 	snop;
	(pc) =	sbr.rel @p0 .LBB2_11-.Ltmp2, $4  }
.Ltmp3:
0x43: {  	_ = 	snop;
	(pc) =	sbr.rel @!p0 .LBB2_2-.Ltmp3, $4  }
0x44: {  	_ = 	snop  }
0x45: {  	_ = 	snop  }
0x46: {  	s28 =	simm.s32 $0xFFFFFFFF;
	v2 =	vimm.f32 $0.0e+00  }
0x47: {  	_ = 	snop  }
.LBB2_4:
0x48: {  	s29 =	smov.u32 s2  }
.LBB2_9:
0x49: {  	v3 =	vmul.f32 v21, v21;
	v4 =	vmul.f32 v19, v19  }
0x4a: {  	v12 =	vmul.f32 v24, v24;
	v13 =	vmul.f32 v25, v25  }
0x4b: {  	v46 =	vmul.f32 v26, v26;
	v14 =	vmul.f32 v28, v28  }
0x4c: {  	v5 =	vmul.f32 v20, v20;
	v6 =	vmul.f32 v23, v23;
	v3 =	vadd.f32 v4, v3  }
0x4d: {  	v48 =	vmul.f32 v18, v18;
	v12 =	vadd.f32 v13, v12;
	v4 =	vadd.f32 v14, v46  }
0x4e: {  	v47 =	vmul.f32 v17, v17;
	v5 =	vadd.f32 v6, v5;
	v3 =	vadd.f32 v31, v3  }
0x4f: {  	v62 =	vadd.s32 $0xFFFFFFFF, v8;
	v63 =	vadd.s32 $0xFFFFFFFF, v11;
	v4 =	vadd.f32 v48, v4  }
0x50: {  	v49 =	vadd.f32 v47, v12;
	v5 =	vadd.f32 v32, v5;
	v3 =	vmax.f32 v3, $9.999999960e-13  }
0x51: {  	v4 =	vmax.f32 v4, $9.999999960e-13;
	v50 =	vshra.s32 v3, $0x1;
	v51 =	vmul.f32 $5.000000000e-01, v3  }
0x52: {  	v15 =	vshra.s32 v4, $0x1;
	v53 =	vmul.f32 $5.000000000e-01, v4;
	v12 =	vsub.s32 $0x5F3759DF, v50  }
0x53: {  	v5 =	vmax.f32 v5, $9.999999960e-13;
	v15 =	vsub.s32 $0x5F3759DF, v15;
	v52 =	vmul.f32 v12, v51  }
0x54: {  	v6 =	vmax.f32 v49, $9.999999960e-13;
	v54 =	vshra.s32 v5, $0x1;
	v55 =	vmul.f32 v15, v53  }
0x55: {  	v56 =	vshra.s32 v6, $0x1;
	v57 =	vmul.f32 $5.000000000e-01, v6;
	v14 =	vmul.f32 v12, v52  }
0x56: {  	v58 =	vmul.f32 $5.000000000e-01, v5;
	v20 =	vsub.s32 $0x5F3759DF, v56;
	v19 =	vmul.f32 v15, v55  }
0x57: {  	v18 =	vsub.s32 $0x5F3759DF, v54;
	v59 =	vmul.f32 v20, v57;
	v14 =	vsub.f32 $1.500000000e+00, v14  }
0x58: {  	v28 =	vadd.s32 $0xFFFFFFFF, v10;
	v60 =	vmul.f32 v18, v58;
	v19 =	vsub.f32 $1.500000000e+00, v19  }
0x59: {  	vm4 =	vgt.s32 v62, $0x0;
	v24 =	vmul.f32 v20, v59;
	v12 =	vmul.f32 v12, v14  }
0x5a: {  	vm9 =	vgt.s32 v28, $0x0;
	v14 =	vmul.f32 v18, v60;
	v15 =	vmul.f32 v15, v19  }
0x5b: {  	vm10 =	vgt.s32 v63, $0x0;
	v31 =	vadd.s32 $0xFFFFFFFF, v9;
	v61 =	vsub.f32 $1.500000000e+00, v24  }
0x5c: {  	vm11 =	vgt.s32 v31, $0x0;
	v14 =	vsub.f32 $1.500000000e+00, v14;
	v17 =	vmul.f32 v15, v53  }
0x5d: {  	v24 =	vnsel vm4, $0x0, v62;
	v19 =	vmul.f32 v20, v61;
	v13 =	vmul.f32 v12, v51  }
0x5e: {  	v33 =	vmin.u32 v24, $0x5;
	v14 =	vmul.f32 v18, v14;
	v17 =	vmul.f32 v17, v15  }
0x5f: {  	v20 =	vnsel vm10, $0x0, v63;
	v21 =	vmul.f32 v19, v57;
	v13 =	vmul.f32 v13, v12  }
0x60: {  	v40 =	vmul.u32 $0x6F9, v33;
	v23 =	vmul.f32 v14, v58;
	v17 =	vsub.f32 $1.500000000e+00, v17  }
0x61: {  	v36 =	vmin.u32 v20, $0x5;
	v21 =	vmul.f32 v21, v19;
	v13 =	vsub.f32 $1.500000000e+00, v13  }
0x62: {  	s0 =	sadd.s32 @p0 $0x40, s29;
	v18 =	vnsel vm9, $0x0, v28;
	v23 =	vmul.f32 v23, v14;
	v15 =	vmul.f32 v17, v15  }
0x63: {  	s2 =	smov.u32 @p0 s0;
	v18 =	vmin.u32 v18, $0x5;
	v32 =	vsub.f32 $1.500000000e+00, v21;
	v12 =	vmul.f32 v13, v12  }
0x64: {  	v34 =	vld [tilespmem:s2+$0xFFFFFFE0];
	v18 =	vmul.u32 $0x6F9, v18;
	v23 =	vsub.f32 $1.500000000e+00, v23;
	v4 =	vmul.f32 v15, v4  }
0x65: {  	v37 =	vld [tilespmem:s2+$0x10];
	v13 =	vnsel vm11, $0x0, v31;
	v35 =	vmul.f32 v32, v19;
	v3 =	vmul.f32 v12, v3  }
0x66: {  	v17 =	vmul.u32 $0x6F9, v36;
	v14 =	vmul.f32 v23, v14;
	v4 =	vadd.f32 $9.999999930e-09, v4  }
0x67: {  	v13 =	vmin.u32 v13, $0x5;
	v6 =	vmul.f32 v35, v6;
	v3 =	vadd.f32 $9.999999930e-09, v3  }
0x68: {  	v13 =	vmul.u32 $0x6F9, v13;
	v5 =	vmul.f32 v14, v5;
	v39 =	vtrunc.f32 v4  }
0x69: {  	v6 =	vadd.f32 $9.999999930e-09, v6;
	v38 =	vtrunc.f32 v3;
	v19 =	vcvt.f32.s32 v39  }
0x6a: {  	v41 =	vld [tilespmem:s2+$0xFFFFFFF0];
	v15 =	vadd.s32 v37, v40;
	v12 =	vadd.s32 v34, v13;
	v14 =	vcvt.f32.s32 v38  }
0x6b: {  	v42 =	vtrunc.f32 v6;
	v5 =	vadd.f32 $9.999999930e-09, v5;
	vm13 =	vlt.s32 v19, $0x13  }
0x6c: {  	v43 =	vld [tilespmem:s2+$0x0];
	v21 =	vcvt.f32.s32 v42;
	vm12 =	vlt.s32 v14, $0x13;
	v19 =	vnsel vm13, $0x13, v19  }
0x6d: {  	v14 =	vnsel vm12, $0x13, v14;
	v44 =	vtrunc.f32 v5;
	v12 =	vadd.s32 v19, v12  }
0x6e: {  	vm14 =	vlt.s32 v21, $0x13;
	v20 =	vcvt.f32.s32 v44;
	v15 =	vadd.s32 v14, v15  }
0x6f: {  	v13 =	vadd.s32 v41, v17;
	v21 =	vnsel vm14, $0x13, v21;
	v45 =	vadd.s32 $0x1, v12  }
0x70: {  	v13 =	vadd.s32 v21, v13;
	vm15 =	vlt.s32 v20, $0x13  }
0x71: {  	v18 =	vadd.s32 v43, v18;
	v47 =	vadd.s32 $0x1, v13;
	v46 =	vnsel vm15, $0x13, v20  }
0x72: {  	v18 =	vadd.s32 v46, v18;
	v12 =	vld.idx.msk [tilespmem:v12+s22+$0x0], $0xffff  }
0x73: {  	v25 =	vadd.f32 @p0 $-2.700000050e+00, v30;
	v16 =	vadd.f32 @p0 v22, v16;
	v48 =	vadd.s32 $0x1, v18;
	v49 =	vld.idx.msk [tilespmem:v15+s22+$0x0], $0xffff  }
0x74: {  	vm1 =	vmand @p0 vm1, vm2;
	v15 =	vadd.s32 $0x1, v15;
	v24 =	vld.idx.msk [tilespmem:v45+s22+$0x0], $0xffff  }
0x75: {  	v25 =	vnsel @p0 vm1, $0x0, v25;
	v16 =	vadd.f32 @p0 $-2.700000050e+00, v16;
	vm1 =	vlt.f32 @p0 v7, $2.000000000e+01;
	v13 =	vld.idx.msk [tilespmem:v13+s22+$0x0], $0xffff  }
0x76: {  	vm8 =	vgt.s32 v11, $0x2;
	vm0 =	vmand @p0 vm0, vm1;
	v50 =	vld.idx.msk [tilespmem:v47+s22+$0x0], $0xffff  }
0x77: {  	v16 =	vnsel @p0 vm0, $0x0, v16;
	vm10 =	vgt.s32 v9, $0x2;
	v19 =	vcvt.s32.f32 v19;
	v18 =	vld.idx.msk [tilespmem:v18+s22+$0x0], $0xffff  }
0x78: {  	vm9 =	vgt.s32 v10, $0x2;
	v23 =	vnsel @p0 vm3, $0x0, v29;
	v14 =	vcvt.s32.f32 v14;
	v51 =	vld.idx.msk [tilespmem:v48+s22+$0x0], $0xffff  }
0x79: {  	v53 =	vcvt.s32.f32 v21;
	v19 =	vsub.f32 v4, v19;
	v52 =	vld.idx.msk [tilespmem:v15+s22+$0x0], $0xffff;
	v24 =	vsub.f32 v24, v12  }
0x7a: {  	v23 =	vadd.f32 @p0 v23, v27;
	v14 =	vsub.f32 v3, v14;
	v54 =	vcvt.s32.f32 v46  }
0x7b: {  	v15 =	vsub.f32 v6, v53;
	v7 =	vsub.f32 v50, v13;
	v55 =	vmul.f32 v19, v24  }
0x7c: {  	vm11 =	vlt.f32 v4, $2.000000000e+01;
	v20 =	vadd.f32 @p0 v25, v23;
	v56 =	vsub.f32 v5, v54  }
0x7d: {  	v7 =	vmul.f32 v15, v7;
	v57 =	vadd.f32 v55, v12;
	v58 =	vsub.f32 v51, v18  }
0x7e: {  	vm2 =	vmand vm10, vm11;
	v16 =	vadd.f32 @p0 v16, v20;
	v59 =	vsub.f32 v52, v49  }
0x7f: {  	v7 =	vadd.f32 v7, v13;
	v10 =	vadd.f32 $-2.700000050e+00, v57;
	v9 =	vmul.f32 v56, v58  }
0x80: {  	vm12 =	vlt.f32 v6, $2.000000000e+01;
	v2 =	vpsel p0, v16, v2;
	v4 =	vmul.f32 v14, v59  }
0x81: {  	v7 =	vadd.f32 $-2.700000050e+00, v7;
	v60 =	vnsel vm2, $0x0, v10;
	v9 =	vadd.f32 v9, v18  }
0x82: {  	vm13 =	vlt.f32 v5, $2.000000000e+01;
	vm0 =	vmand vm8, vm12;
	v2 =	vadd.f32 v60, v2  }
0x83: {  	v61 =	vnsel vm0, $0x0, v7;
	v4 =	vadd.f32 v4, v49;
	v62 =	vadd.f32 $-2.700000050e+00, v9  }
0x84: {  	vm14 =	vgt.s32 v8, $0x2;
	vm1 =	vmand vm9, vm13;
	v2 =	vadd.f32 v61, v2  }
0x85: {  	vm15 =	vlt.f32 v3, $2.000000000e+01;
	v4 =	vadd.f32 $-2.700000050e+00, v4;
	v63 =	vnsel vm1, $0x0, v62  }
0x86: {  	vm0 =	vmand vm14, vm15;
	v2 =	vadd.f32 v63, v2  }
0x87: {  	v3 =	vnsel vm0, $0x0, v4  }
0x88: {  	v2 =	vadd.f32 v3, v2  }
.LBB2_10:
0x89: {  	s25 =	sadd.s32 $0x1, s25  }
0x8a: {  	p0 =	sne.s32 s25, s26  }
.Ltmp4:
0x8b: {  	_ = 	snop;
	(pc) =	sbr.rel @!p0 .LBB2_11-.Ltmp4, $1  }
0x8c: {  	_ =	sdelay $0x3  }
.LBB2_2:
0x8d: {  	v3 =	vmov s25;
	_ =	sdelay $0x4  }
0x8e: {  	v3 =	vld.idx.msk [tilespmem:v3+s20+$0x0], $0xffff;
	_ =	sdelay $0x4  }
0x8f: {  	v3 =	vxor.u32 $0x80000000, v3  }
0x90: {  	(xrf0) =	vmax.scan.msk.u32 $0xffff, v3;
	_ =	sdelay $0x5  }
0x91: {  	v3, _, _ =	vpop (xrf0)  }
0x92: {  	(v2sf) =	vpush v3, $0xF;
	_ =	sdelay $0xe  }
0x93: {  	s0 =	spop (v2sf)  }
0x94: {  	s2 =	sxor.u32 $0x80000000, s0  }
0x95: {  	v6 =	vmov s2;
	_ =	sdelay $0x4  }
0x96: {  	v3 =	vld.idx.msk [tilespmem:v6+s17+$0x0], $0xffff;
	_ =	sdelay $0x4  }
0x97: {  	v3 =	vxor.u32 $0x80000000, v3  }
0x98: {  	(xrf0) =	vmax.scan.msk.u32 $0xffff, v3;
	_ =	sdelay $0x5  }
0x99: {  	v3, _, _ =	vpop (xrf0)  }
0x9a: {  	(v2sf) =	vpush v3, $0xF;
	_ =	sdelay $0xe  }
0x9b: {  	s3 =	spop (v2sf)  }
0x9c: {  	s5 =	smov.u32 s28;
	s28 =	sxor.u32 $0x80000000, s3  }
0x9d: {  	p0 =	seq.s32 s28, s5  }
0x9e: {  	s2 =	sshrl.u32 @!p0 s28, $0x3  }
0x9f: {  	s3 =	sshll.u32 @!p0 s3, $0x7;
	s2 =	smul.u32 @!p0 $0x15000, s2  }
0xa0: {  	s3 =	sand.u32 @!p0 $0x380, s3  }
0xa1: {  	v4 =	vld.idx.msk [tilespmem:v6+s15+$0x0], $0xffff;
	s2 =	sor.u32 @!p0 s3, s2  }
0xa2: {  	v5 =	vld.idx.msk [tilespmem:v6+s16+$0x0], $0xffff;
	s5 =	simm.s32 @!p0 $0x400;
	s2 =	sshrl.u32 @!p0 s2, $0x3  }
0xa3: {  	v3 =	vld.idx.msk [tilespmem:v6+s6+$0x0], $0xffff;
	s29 =	simm.s32 @!p0 $0x7080;
	s3 =	simm.s32 @!p0 $0x80;
	s2 =	sadd.s32 @!p0 s11, s2  }
0xa4: {  	v6 =	vld.idx.msk [tilespmem:v6+s19+$0x0], $0xffff;
	[tilespmem:s29], [sflag:$0x1] =	stream.strided.gather @!p0 [hbm4b:s2+s3], $0x2A00, s5, s3, $0x38  }
0xa5: {  	p1 =	slt.s32 s0, $0xFFFFFFFF;
	s2 =	sadd.s32 $0x80000001, s0;
	s0 =	simm.s32 $0x1  }
0xa6: {  	s29 =	sshra.s32 s2, $0x1F;
	s0 =	simm.s32 @!p1 $0x0  }
0xa7: {  	s30 =	sand.u32 $0x3F, s2;
	s0 =	sadd.s32 s0, s29  }
0xa8: {  	p2 =	sne.s32 s30, $0x0;
	p6 =	sne.s32 s0, $0x1  }
0xa9: {  	s31 =	sshrl.u32 s29, $0x1A;
	p1 =	por !p2, !p6  }
0xaa: {  	s0 =	sadd.s32 s31, s2;
	s2 =	simm.s32 $0x1;
	p1 =	por !p1, !p1  }
0xab: {  	s0 =	sshra.s32 s0, $0x6;
	s2 =	simm.s32 @!p1 $0x0  }
0xac: {  	s2 =	ssub.s32 s0, s2  }
0xad: {  	p1 =	sgt.s32 s2, $0x3F  }
.Ltmp5:
0xae: {  	_ = 	snop;
	(pc) =	sbr.rel @p1 .LBB2_10-.Ltmp5, $4  }
0xaf: {  	s3 =	simm.s32 @!p0 $0x1  }
0xb0: {  	_ =	swait.ge @!p0 [sflag:s3], $0x2A00  }
0xb1: {  	[sflag:s3] =	ssyncset.done @!p0 $0x0  }
0xb2: {  	[sflag:s3] =	ssyncadd.s32 @!p0 $0xFFFFD600  }
0xb3: {  	s0 =	sshll.u32 s2, $0x8  }
0xb4: {  	s3 =	sshra.s32 s0, $0x2  }
0xb5: {  	s30 =	sadd.s32 $0x5020, s3  }
0xb6: {  	v7 =	vld [tilespmem:s30+$0x10]  }
0xb7: {  	v9 =	vld [tilespmem:s30+$0x0]  }
0xb8: {  	v11 =	vld [tilespmem:s30+$0xFFFFFFF0]  }
0xb9: {  	s29 =	sadd.s32 $0x2020, s3;
	v12 =	vld [tilespmem:s30+$0xFFFFFFE0]  }
0xba: {  	v8 =	vld [tilespmem:s29+$0x10]  }
0xbb: {  	s0 =	sor.u32 $0x20, s3;
	v10 =	vld [tilespmem:s29+$0x0]  }
0xbc: {  	s5 =	sadd.s32 $0x1020, s3;
	v13 =	vld [tilespmem:s0+$0x10]  }
0xbd: {  	v14 =	vld [tilespmem:s5+$0x10]  }
0xbe: {  	v15 =	vld [tilespmem:s29+$0xFFFFFFF0]  }
0xbf: {  	v16 =	vld [tilespmem:s0+$0x0]  }
0xc0: {  	v22 =	vld [tilespmem:s5+$0x0]  }
0xc1: {  	v18 =	vld [tilespmem:s29+$0xFFFFFFE0]  }
0xc2: {  	v24 =	vld [tilespmem:s0+$0xFFFFFFF0]  }
0xc3: {  	v25 =	vld [tilespmem:s5+$0xFFFFFFF0]  }
0xc4: {  	s31 =	ssub.s32 $0x40, s2;
	v26 =	vld [tilespmem:s0+$0xFFFFFFE0];
	v27 =	vsub.f32 v5, v10  }
0xc5: {  	p1 =	sne.s32 s31, $0x1;
	v28 =	vld [tilespmem:s5+$0xFFFFFFE0];
	v29 =	vsub.f32 v5, v8;
	v21 =	vsub.f32 v3, v13  }
.Ltmp6:
0xc6: {  	v8 =	vsub.s32 v7, v6;
	v19 =	vsub.f32 v4, v14;
	v17 =	vsub.f32 v5, v15;
	(pc) =	sbr.rel @!p1 .LBB2_4-.Ltmp6, $4  }
0xc7: {  	v20 =	vsub.f32 v3, v16;
	v10 =	vsub.s32 v9, v6;
	v18 =	vsub.f32 v5, v18  }
0xc8: {  	v11 =	vsub.s32 v11, v6;
	v23 =	vsub.f32 v4, v22;
	v24 =	vsub.f32 v3, v24  }
0xc9: {  	v9 =	vsub.s32 v12, v6;
	v25 =	vsub.f32 v4, v25;
	v26 =	vsub.f32 v3, v26  }
0xca: {  	p0 =	por $0x0, $0x0;
	s2 =	sadd.s32 $0x4020, s3;
	s3 =	sadd.s32 $0xFFFFFFFF, s31;
	v28 =	vsub.f32 v4, v28;
	v31 =	vmul.f32 v29, v29;
	v32 =	vmul.f32 v27, v27  }
0xcb: {  	v7 =	vmul.f32 v21, v21  }
0xcc: {  	v12 =	vmul.f32 v19, v19;
	v13 =	vmul.f32 v20, v20  }
0xcd: {  	v14 =	vmul.f32 v23, v23;
	v15 =	vmul.f32 v24, v24  }
0xce: {  	v16 =	vmul.f32 v25, v25;
	v19 =	vmul.f32 v26, v26  }
0xcf: {  	v27 =	vadd.s32 $0xFFFFFFFF, v11;
	v20 =	vmul.f32 v28, v28;
	v7 =	vadd.f32 v12, v7  }
0xd0: {  	v12 =	vadd.f32 v16, v15;
	v15 =	vmul.f32 v17, v17;
	v13 =	vadd.f32 v14, v13  }
0xd1: {  	v16 =	vmul.f32 v18, v18;
	v14 =	vadd.f32 v20, v19;
	v7 =	vadd.f32 v31, v7  }
0xd2: {  	v29 =	vadd.s32 $0xFFFFFFFF, v10;
	v12 =	vadd.f32 v15, v12;
	v13 =	vadd.f32 v32, v13  }
0xd3: {  	v30 =	vadd.s32 $0xFFFFFFFF, v9;
	vm1 =	vgt.s32 v29, $0x0;
	v14 =	vadd.f32 v16, v14  }
0xd4: {  	v12 =	vmax.f32 v12, $9.999999960e-13;
	v13 =	vmax.f32 v13, $9.999999960e-13;
	v7 =	vmax.f32 v7, $9.999999960e-13  }
0xd5: {  	v14 =	vmax.f32 v14, $9.999999960e-13;
	v16 =	vshra.s32 v7, $0x1;
	v17 =	vmul.f32 $5.000000000e-01, v7  }
0xd6: {  	v18 =	vshra.s32 v14, $0x1;
	v19 =	vmul.f32 $5.000000000e-01, v14;
	v16 =	vsub.s32 $0x5F3759DF, v16  }
0xd7: {  	v20 =	vshra.s32 v13, $0x1;
	v18 =	vsub.s32 $0x5F3759DF, v18;
	v21 =	vmul.f32 v16, v17  }
0xd8: {  	v23 =	vshra.s32 v12, $0x1;
	v24 =	vmul.f32 $5.000000000e-01, v12;
	v22 =	vmul.f32 v18, v19  }
0xd9: {  	v25 =	vmul.f32 $5.000000000e-01, v13;
	v23 =	vsub.s32 $0x5F3759DF, v23;
	v21 =	vmul.f32 v16, v21  }
0xda: {  	v20 =	vsub.s32 $0x5F3759DF, v20;
	v26 =	vmul.f32 v23, v24;
	v22 =	vmul.f32 v18, v22  }
0xdb: {  	vm2 =	vgt.s32 v27, $0x0;
	v28 =	vmul.f32 v20, v25;
	v21 =	vsub.f32 $1.500000000e+00, v21  }
0xdc: {  	vm3 =	vgt.s32 v30, $0x0;
	v26 =	vmul.f32 v23, v26;
	v22 =	vsub.f32 $1.500000000e+00, v22  }
0xdd: {  	v27 =	vnsel vm2, $0x0, v27;
	v28 =	vmul.f32 v20, v28;
	v16 =	vmul.f32 v16, v21  }
0xde: {  	vm2 =	vgt.s32 v11, $0x2;
	v21 =	vsub.f32 $1.500000000e+00, v26;
	v18 =	vmul.f32 v18, v22  }
0xdf: {  	v15 =	vadd.s32 $0xFFFFFFFF, v8;
	v22 =	vsub.f32 $1.500000000e+00, v28;
	v17 =	vmul.f32 v16, v17  }
0xe0: {  	vm0 =	vgt.s32 v15, $0x0;
	v21 =	vmul.f32 v23, v21;
	v19 =	vmul.f32 v18, v19  }
0xe1: {  	v15 =	vnsel vm0, $0x0, v15;
	v20 =	vmul.f32 v20, v22;
	v22 =	vld [tilespmem:s2+$0x10];
	v17 =	vmul.f32 v17, v16  }
0xe2: {  	v15 =	vmin.u32 v15, $0x5;
	v23 =	vmul.f32 v21, v24;
	v19 =	vmul.f32 v19, v18  }
0xe3: {  	s31 =	sadd.s32 $0x40, s29;
	v15 =	vmul.u32 $0x6F9, v15;
	v25 =	vmul.f32 v20, v25;
	v17 =	vsub.f32 $1.500000000e+00, v17  }
0xe4: {  	s0 =	sadd.s32 $0x40, s0;
	v37 =	vld [tilespmem:s31+$0xFFFFFFE0];
	v24 =	vnsel vm1, $0x0, v29;
	v23 =	vmul.f32 v23, v21;
	v19 =	vsub.f32 $1.500000000e+00, v19  }
0xe5: {  	s5 =	sadd.s32 $0x40, s5;
	v38 =	vld [tilespmem:s0+$0xFFFFFFF0];
	v29 =	vnsel vm3, $0x0, v30;
	v25 =	vmul.f32 v25, v20;
	v16 =	vmul.f32 v17, v16  }
0xe6: {  	v39 =	vld [tilespmem:s5+$0xFFFFFFF0];
	v15 =	vadd.s32 v22, v15;
	v18 =	vmul.f32 v19, v18;
	v19 =	vsub.f32 $1.500000000e+00, v23  }
0xe7: {  	v28 =	vld [tilespmem:s2+$0xFFFFFFF0];
	v23 =	vmin.u32 v24, $0x5;
	v25 =	vsub.f32 $1.500000000e+00, v25;
	v7 =	vmul.f32 v16, v7  }
0xe8: {  	v30 =	vld [tilespmem:s2+$0xFFFFFFE0];
	v16 =	vmin.u32 v27, $0x5;
	v14 =	vmul.f32 v18, v14;
	v18 =	vmul.f32 v19, v21  }
0xe9: {  	v31 =	vld [tilespmem:s5+$0x10];
	v19 =	vmin.u32 v29, $0x5;
	v20 =	vmul.f32 v25, v20;
	v7 =	vadd.f32 $9.999999930e-09, v7  }
0xea: {  	s30 =	sadd.s32 $0x40, s30;
	v26 =	vld [tilespmem:s2+$0x0];
	v16 =	vmul.u32 $0x6F9, v16;
	v33 =	vadd.f32 $9.999999930e-09, v14;
	v12 =	vmul.f32 v18, v12  }
0xeb: {  	v17 =	vld [tilespmem:s30+$0x10];
	v18 =	vmul.u32 $0x6F9, v19;
	v13 =	vmul.f32 v20, v13;
	v20 =	vtrunc.f32 v7  }
0xec: {  	v24 =	vld [tilespmem:s30+$0x0];
	v25 =	vtrunc.f32 v33;
	v34 =	vadd.f32 $9.999999930e-09, v12;
	v12 =	vcvt.f32.s32 v20  }
0xed: {  	v27 =	vld [tilespmem:s30+$0xFFFFFFF0];
	v16 =	vadd.s32 v28, v16;
	v18 =	vadd.s32 v30, v18;
	v20 =	vcvt.f32.s32 v25  }
0xee: {  	v29 =	vld [tilespmem:s30+$0xFFFFFFE0];
	v35 =	vadd.f32 $9.999999930e-09, v13;
	v22 =	vtrunc.f32 v34;
	vm0 =	vlt.s32 v12, $0x13  }
0xef: {  	v21 =	vld [tilespmem:s31+$0x10];
	vm1 =	vlt.s32 v20, $0x13;
	v22 =	vcvt.f32.s32 v22;
	v36 =	vnsel vm0, $0x13, v12  }
0xf0: {  	v14 =	vld [tilespmem:s31+$0x0];
	v12 =	vtrunc.f32 v35;
	v58 =	vnsel vm1, $0x13, v20;
	v15 =	vadd.s32 v36, v15  }
0xf1: {  	v19 =	vld [tilespmem:s0+$0x10];
	v12 =	vcvt.f32.s32 v12;
	v18 =	vadd.s32 v58, v18;
	vm0 =	vlt.s32 v22, $0x13  }
0xf2: {  	v13 =	vld [tilespmem:s0+$0x0];
	v20 =	vmul.u32 $0x6F9, v23;
	v23 =	vadd.s32 $0x1, v18;
	v22 =	vnsel vm0, $0x13, v22  }
0xf3: {  	vm3 =	vgt.s32 v9, $0x2;
	v30 =	vld [tilespmem:s5+$0x0];
	vm0 =	vlt.s32 v12, $0x13;
	v40 =	vadd.s32 v22, v16  }
0xf4: {  	v25 =	vld [tilespmem:s31+$0xFFFFFFF0];
	v41 =	vnsel vm0, $0x13, v12;
	v16 =	vadd.s32 v26, v20;
	v26 =	vadd.s32 $0x1, v40  }
0xf5: {  	vm4 =	vlt.f32 v33, $2.000000000e+01;
	v45 =	vsub.f32 v5, v21;
	v43 =	vadd.s32 v41, v16;
	v16 =	vld.idx.msk [tilespmem:v15+s22+$0x0], $0xffff  }
0xf6: {  	vm3 =	vmand vm3, vm4;
	v44 =	vsub.f32 v5, v14;
	v46 =	vadd.s32 $0x1, v43;
	v47 =	vld.idx.msk [tilespmem:v18+s22+$0x0], $0xffff  }
0xf7: {  	v21 =	vsub.f32 v3, v19;
	v19 =	vsub.f32 v4, v31;
	v31 =	vadd.s32 $0x1, v15;
	v48 =	vld.idx.msk [tilespmem:v23+s22+$0x0], $0xffff  }
0xf8: {  	vm4 =	vlt.f32 v34, $2.000000000e+01;
	v14 =	vsub.s32 v29, v6;
	vm1 =	vgt.s32 v10, $0x2;
	v40 =	vld.idx.msk [tilespmem:v40+s22+$0x0], $0xffff  }
0xf9: {  	v29 =	vcvt.s32.f32 v58;
	v32 =	vmul.f32 v44, v44;
	v15 =	vsub.s32 v27, v6;
	v27 =	vld.idx.msk [tilespmem:v26+s22+$0x0], $0xffff  }
0xfa: {  	v12 =	vsub.s32 v17, v6;
	v17 =	vsub.f32 v5, v25;
	v23 =	vsub.f32 v4, v30;
	v30 =	vld.idx.msk [tilespmem:v43+s22+$0x0], $0xffff  }
0xfb: {  	v20 =	vsub.f32 v3, v13;
	v13 =	vsub.s32 v24, v6;
	vm0 =	vgt.s32 v8, $0x2;
	v59 =	vld.idx.msk [tilespmem:v46+s22+$0x0], $0xffff  }
0xfc: {  	v60 =	vsub.f32 v33, v29;
	v22 =	vcvt.s32.f32 v22;
	v8 =	vld.idx.msk [tilespmem:v31+s22+$0x0], $0xffff;
	v61 =	vsub.f32 v48, v47  }
0xfd: {  	v42 =	vld [tilespmem:s5+$0xFFFFFFE0];
	v24 =	vsub.f32 v3, v38;
	v25 =	vsub.f32 v4, v39;
	v62 =	vcvt.s32.f32 v41  }
0xfe: {  	v28 =	vld [tilespmem:s0+$0xFFFFFFE0];
	v63 =	vsub.f32 v34, v22;
	v10 =	vmul.f32 v60, v61;
	v22 =	vsub.f32 v27, v40  }
0xff: {  	v18 =	vsub.f32 v5, v37;
	v9 =	vsub.f32 v35, v62;
	v27 =	vcvt.s32.f32 v36  }
0x100: {  	p1 =	sne.s32 s3, $0x1;
	v10 =	vadd.f32 v10, v47;
	v11 =	vmul.f32 v63, v22;
	v22 =	vsub.f32 v59, v30  }
.Ltmp7:
0x101: {  	v31 =	vmul.f32 v45, v45;
	v8 =	vsub.f32 v8, v16;
	v27 =	vsub.f32 v7, v27;
	(pc) =	sbr.rel @!p1 .LBB2_6-.Ltmp7, $4  }
0x102: {  	v10 =	vadd.f32 $-2.700000050e+00, v10;
	v11 =	vadd.f32 v11, v40;
	v9 =	vmul.f32 v9, v22  }
0x103: {  	v26 =	vsub.f32 v3, v28;
	v28 =	vsub.f32 v4, v42;
	v22 =	vmul.f32 v27, v8  }
0x104: {  	v8 =	vnsel vm3, $0x0, v10;
	v29 =	vadd.f32 $-2.700000050e+00, v11;
	v30 =	vadd.f32 v9, v30  }
0x105: {  	s3 =	sadd.s32 $0xFFFFFFFF, s3;
	p0 =	por $0x1, $0x1;
	s29 =	smov.u32 s2;
	vm3 =	vmand vm2, vm4;
	vm2 =	vlt.f32 v35, $2.000000000e+01;
	v27 =	vadd.f32 v8, v2  }
.LBB2_7:
0x106: {  	p1 =	sne.s32 s3, $0x1;
	v8 =	vnsel vm3, $0x0, v29;
	v9 =	vadd.f32 $-2.700000050e+00, v30;
	v10 =	vadd.f32 v22, v16  }
0x107: {  	v11 =	vmul.f32 v21, v21;
	vm1 =	vmand vm1, vm2;
	v8 =	vadd.f32 v8, v27  }
0x108: {  	v9 =	vnsel vm1, $0x0, v9;
	v10 =	vadd.f32 $-2.700000050e+00, v10;
	vm1 =	vlt.f32 v7, $2.000000000e+01  }
0x109: {  	v7 =	vmul.f32 v19, v19;
	v8 =	vadd.f32 v9, v8;
	vm0 =	vmand vm0, vm1  }
0x10a: {  	v16 =	vmul.f32 v23, v23;
	v9 =	vmul.f32 v20, v20;
	v10 =	vnsel vm0, $0x0, v10  }
0x10b: {  	v19 =	vmul.f32 v24, v24;
	v20 =	vmul.f32 v25, v25;
	v8 =	vadd.f32 v10, v8  }
0x10c: {  	v21 =	vmul.f32 v28, v28;
	v7 =	vadd.f32 v7, v11;
	v10 =	vmul.f32 v26, v26  }
0x10d: {  	v17 =	vmul.f32 v17, v17;
	v11 =	vadd.f32 v20, v19;
	v9 =	vadd.f32 v16, v9  }
0x10e: {  	v16 =	vmul.f32 v18, v18;
	v7 =	vadd.f32 v31, v7;
	v10 =	vadd.f32 v21, v10  }
0x10f: {  	v11 =	vadd.f32 v17, v11;
	v9 =	vadd.f32 v32, v9;
	v17 =	vadd.s32 $0xFFFFFFFF, v12  }
0x110: {  	v18 =	vadd.s32 $0xFFFFFFFF, v13;
	v10 =	vadd.f32 v16, v10;
	v16 =	vadd.s32 $0xFFFFFFFF, v15  }
0x111: {  	v7 =	vmax.f32 v7, $9.999999960e-13;
	v11 =	vmax.f32 v11, $9.999999960e-13;
	v9 =	vmax.f32 v9, $9.999999960e-13  }
0x112: {  	v19 =	vshra.s32 v7, $0x1;
	v20 =	vmul.f32 $5.000000000e-01, v7;
	v10 =	vmax.f32 v10, $9.999999960e-13  }
0x113: {  	v19 =	vsub.s32 $0x5F3759DF, v19;
	v21 =	vshra.s32 v10, $0x1;
	v22 =	vmul.f32 $5.000000000e-01, v10  }
0x114: {  	v23 =	vshra.s32 v9, $0x1;
	v24 =	vmul.f32 v19, v20;
	v21 =	vsub.s32 $0x5F3759DF, v21  }
0x115: {  	v26 =	vshra.s32 v11, $0x1;
	v27 =	vmul.f32 $5.000000000e-01, v11;
	v25 =	vmul.f32 v21, v22  }
0x116: {  	v28 =	vmul.f32 $5.000000000e-01, v9;
	v26 =	vsub.s32 $0x5F3759DF, v26;
	v24 =	vmul.f32 v19, v24  }
0x117: {  	v23 =	vsub.s32 $0x5F3759DF, v23;
	v29 =	vmul.f32 v26, v27;
	v25 =	vmul.f32 v21, v25  }
0x118: {  	v30 =	vadd.s32 $0xFFFFFFFF, v14;
	v31 =	vmul.f32 v23, v28;
	v24 =	vsub.f32 $1.500000000e+00, v24  }
0x119: {  	vm0 =	vgt.s32 v17, $0x0;
	v29 =	vmul.f32 v26, v29;
	v25 =	vsub.f32 $1.500000000e+00, v25  }
0x11a: {  	vm1 =	vgt.s32 v18, $0x0;
	v31 =	vmul.f32 v23, v31;
	v19 =	vmul.f32 v19, v24  }
0x11b: {  	vm2 =	vgt.s32 v16, $0x0;
	v24 =	vsub.f32 $1.500000000e+00, v29;
	v21 =	vmul.f32 v21, v25  }
0x11c: {  	vm3 =	vgt.s32 v30, $0x0;
	v20 =	vmul.f32 v19, v20;
	v25 =	vsub.f32 $1.500000000e+00, v31  }
0x11d: {  	s29 =	sadd.s32 $0x40, s29;
	v17 =	vnsel vm0, $0x0, v17;
	v24 =	vmul.f32 v26, v24;
	v22 =	vmul.f32 v21, v22  }
0x11e: {  	v18 =	vnsel vm1, $0x0, v18;
	v20 =	vmul.f32 v20, v19;
	v23 =	vmul.f32 v23, v25;
	v25 =	vld [tilespmem:s29+$0x10]  }
0x11f: {  	v16 =	vnsel vm2, $0x0, v16;
	v26 =	vmul.f32 v24, v27;
	v22 =	vmul.f32 v22, v21;
	v27 =	vld [tilespmem:s29+$0x0]  }
0x120: {  	v29 =	vnsel vm3, $0x0, v30;
	v20 =	vsub.f32 $1.500000000e+00, v20;
	v28 =	vmul.f32 v23, v28;
	v30 =	vld [tilespmem:s29+$0xFFFFFFF0]  }
0x121: {  	s30 =	sadd.s32 $0x40, s30;
	v17 =	vmin.u32 v17, $0x5;
	v26 =	vmul.f32 v26, v24;
	v22 =	vsub.f32 $1.500000000e+00, v22;
	v31 =	vld [tilespmem:s29+$0xFFFFFFE0]  }
0x122: {  	v18 =	vmin.u32 v18, $0x5;
	v19 =	vmul.f32 v20, v19;
	v28 =	vmul.f32 v28, v23;
	v32 =	vld [tilespmem:s30+$0x10]  }
0x123: {  	v16 =	vmin.u32 v16, $0x5;
	v20 =	vmul.f32 v22, v21;
	v21 =	vsub.f32 $1.500000000e+00, v26;
	v33 =	vld [tilespmem:s30+$0x0]  }
0x124: {  	v7 =	vmul.f32 v19, v7;
	v26 =	vmin.u32 v29, $0x5;
	v28 =	vsub.f32 $1.500000000e+00, v28;
	v22 =	vld [tilespmem:s30+$0xFFFFFFF0]  }
0x125: {  	s31 =	sadd.s32 $0x40, s31;
	v17 =	vmul.u32 $0x6F9, v17;
	v10 =	vmul.f32 v20, v10;
	v19 =	vmul.f32 v21, v24;
	v29 =	vld [tilespmem:s30+$0xFFFFFFE0]  }
0x126: {  	v18 =	vmul.u32 $0x6F9, v18;
	v7 =	vadd.f32 $9.999999930e-09, v7;
	v21 =	vmul.f32 v28, v23;
	v20 =	vld [tilespmem:s31+$0x10]  }
0x127: {  	s0 =	sadd.s32 $0x40, s0;
	v16 =	vmul.u32 $0x6F9, v16;
	v10 =	vadd.f32 $9.999999930e-09, v10;
	v11 =	vmul.f32 v19, v11;
	v23 =	vld [tilespmem:s31+$0x0]  }
0x128: {  	s5 =	sadd.s32 $0x40, s5;
	v24 =	vmul.u32 $0x6F9, v26;
	v9 =	vmul.f32 v21, v9;
	v21 =	vtrunc.f32 v7;
	v19 =	vld [tilespmem:s0+$0x10]  }
0x129: {  	v21 =	vcvt.f32.s32 v21;
	v28 =	vtrunc.f32 v10;
	v11 =	vadd.f32 $9.999999930e-09, v11;
	v26 =	vld [tilespmem:s5+$0x10]  }
0x12a: {  	v17 =	vadd.s32 v25, v17;
	v24 =	vadd.s32 v31, v24;
	v28 =	vcvt.f32.s32 v28;
	v34 =	vld [tilespmem:s31+$0xFFFFFFF0]  }
0x12b: {  	v9 =	vadd.f32 $9.999999930e-09, v9;
	vm0 =	vlt.s32 v21, $0x13;
	v31 =	vtrunc.f32 v11;
	v25 =	vld [tilespmem:s0+$0x0]  }
0x12c: {  	v36 =	vnsel vm0, $0x13, v21;
	vm1 =	vlt.s32 v28, $0x13;
	v31 =	vcvt.f32.s32 v31;
	v35 =	vld [tilespmem:s5+$0x0]  }
0x12d: {  	v21 =	vtrunc.f32 v9;
	v17 =	vadd.s32 v36, v17;
	v38 =	vnsel vm1, $0x13, v28;
	v37 =	vld [tilespmem:s31+$0xFFFFFFE0]  }
0x12e: {  	v21 =	vcvt.f32.s32 v21;
	v24 =	vadd.s32 v38, v24;
	vm0 =	vlt.s32 v31, $0x13;
	v28 =	vld [tilespmem:s0+$0xFFFFFFF0]  }
0x12f: {  	v16 =	vadd.s32 v30, v16;
	v40 =	vadd.s32 $0x1, v24;
	v31 =	vnsel vm0, $0x13, v31;
	v39 =	vld [tilespmem:s5+$0xFFFFFFF0]  }
0x130: {  	vm0 =	vlt.s32 v21, $0x13;
	v41 =	vadd.s32 v31, v16;
	v30 =	vld [tilespmem:s0+$0xFFFFFFE0]  }
0x131: {  	v44 =	vnsel vm0, $0x13, v21;
	v16 =	vadd.s32 v27, v18;
	v43 =	vadd.s32 $0x1, v41;
	v42 =	vld [tilespmem:s5+$0xFFFFFFE0]  }
0x132: {  	v27 =	vsub.s32 v32, v6;
	v32 =	vadd.s32 v44, v16;
	v16 =	vld.idx.msk [tilespmem:v17+s22+$0x0], $0xffff  }
0x133: {  	v46 =	vsub.f32 v5, v20;
	v45 =	vsub.f32 v5, v23;
	v48 =	vadd.s32 $0x1, v32;
	v47 =	vld.idx.msk [tilespmem:v24+s22+$0x0], $0xffff  }
0x134: {  	v49 =	vadd.s32 $0x1, v17;
	v21 =	vsub.f32 v3, v19;
	v19 =	vsub.f32 v4, v26;
	v40 =	vld.idx.msk [tilespmem:v40+s22+$0x0], $0xffff  }
0x135: {  	v33 =	vsub.s32 v33, v6;
	v20 =	vsub.f32 v3, v25;
	v17 =	vsub.f32 v5, v34;
	v34 =	vld.idx.msk [tilespmem:v41+s22+$0x0], $0xffff  }
0x136: {  	v22 =	vsub.s32 v22, v6;
	v23 =	vsub.f32 v4, v35;
	v18 =	vsub.f32 v5, v37;
	v35 =	vld.idx.msk [tilespmem:v43+s22+$0x0], $0xffff  }
0x137: {  	v29 =	vsub.s32 v29, v6;
	v24 =	vsub.f32 v3, v28;
	v25 =	vsub.f32 v4, v39;
	v37 =	vld.idx.msk [tilespmem:v32+s22+$0x0], $0xffff  }
0x138: {  	v26 =	vsub.f32 v3, v30;
	v30 =	vcvt.s32.f32 v38;
	v28 =	vsub.f32 v4, v42;
	v38 =	vld.idx.msk [tilespmem:v48+s22+$0x0], $0xffff  }
0x139: {  	vm2 =	vgt.s32 v15, $0x2;
	vm1 =	vgt.s32 v13, $0x2;
	v13 =	vmovc v33;
	vm0 =	vgt.s32 v12, $0x2;
	v12 =	vmovc v27;
	v39 =	vld.idx.msk [tilespmem:v49+s22+$0x0], $0xffff  }
0x13a: {  	v15 =	vmovc v22;
	v27 =	vsub.f32 v10, v30;
	v32 =	vcvt.s32.f32 v31;
	v30 =	vsub.f32 v40, v47  }
0x13b: {  	vm3 =	vgt.s32 v14, $0x2;
	v14 =	vmovc v29;
	v22 =	vcvt.s32.f32 v44;
	v31 =	vmul.f32 v46, v46  }
0x13c: {  	v29 =	vsub.f32 v11, v32;
	v27 =	vmul.f32 v27, v30;
	v30 =	vsub.f32 v35, v34  }
0x13d: {  	v33 =	vcvt.s32.f32 v36;
	v22 =	vsub.f32 v9, v22;
	v32 =	vmul.f32 v45, v45  }
0x13e: {  	v27 =	vadd.f32 v27, v47;
	v29 =	vmul.f32 v29, v30;
	v30 =	vsub.f32 v38, v37  }
.Ltmp8:
0x13f: {  	vm4 =	vlt.f32 v10, $2.000000000e+01;
	v10 =	vsub.f32 v7, v33;
	v33 =	vsub.f32 v39, v16;
	(pc) =	sbr.rel @p1 .LBB2_7-.Ltmp8, $4  }
0x140: {  	v27 =	vadd.f32 $-2.700000050e+00, v27;
	v29 =	vadd.f32 v29, v34;
	v30 =	vmul.f32 v22, v30  }
0x141: {  	vm3 =	vmand vm3, vm4;
	vm4 =	vlt.f32 v11, $2.000000000e+01;
	v22 =	vmul.f32 v10, v33  }
0x142: {  	v10 =	vnsel vm3, $0x0, v27;
	v29 =	vadd.f32 $-2.700000050e+00, v29;
	v30 =	vadd.f32 v30, v37  }
0x143: {  	s3 =	sadd.s32 $0xFFFFFFFF, s3;
	vm3 =	vmand vm2, vm4;
	vm2 =	vlt.f32 v9, $2.000000000e+01;
	v27 =	vadd.f32 v10, v8  }
.Ltmp9:
0x144: {  	(pc) =	sbr.rel .LBB2_9-.Ltmp9, $2  }
0x145: {  	_ =	sdelay $0x2  }
0x146: {  	v8 =	vmovc v12;
	v11 =	vmov v15;
	v10 =	vmov v13;
	v9 =	vmov v14  }
.LBB2_6:
.Ltmp10:
0x147: {  	(pc) =	sbr.rel .LBB2_9-.Ltmp10, $2  }
0x148: {  	_ =	sdelay $0x2  }
0x149: {  	v8 =	vmovc v12;
	v11 =	vmov v15;
	v10 =	vmov v13;
	v9 =	vmov v14;
	s29 =	smov.u32 s2  }
.LBB2_12:
0x14a: {  	_ =	sfence.sel $0x180000  }
0x14b: {  	[bflag:$0x0] =	sbarrier.arrive $0xFFFF  }
0x14c: {  	_ =	strace $0x90000047  }
0x14d: {  	s0 =	stileid.u32;
	[bflag:$0x2] =	sbarrier.arrive $0xFFFF  }
0x14e: {  	p0 =	sne.s32 s0, $0x0;
	s0 =	rddreg [dreg:$0x4]  }
0x14f: {  	s0 =	sadd.s32 @!p0 $0x100000, s0  }
0x150: {  	[sflag:s0] =	ssyncadd.tile.s32 @!p0 $0x1;
	_ =	shalt  }
.Lfunc_end2:
_tile_overlayer_lowered:
.L_overlay_start_2:
0x151: {  	(tag) =	ssettag $0x2  }
0x152: {  	s0 =	rddreg [dreg:$0x0];
	s2 =	stileid.u32  }
0x153: {  	s1 =	rddreg [dreg:$0x1];
	p0 =	sne.s32 s2, $0x0  }
0x154: {  	s3 =	rddreg [dreg:$0x2];
	[bflag:$0x3] =	sbarrier.arrive $0xFFFF;
	s2 =	simm.s32 @!p0 $0x1C01  }
0x155: {  	[timem:s3], [sflag:s2] =	dma.local @!p0 [hbm:s0], s1  }
0x156: {  	s0 =	simm.s32 @!p0 $0x1  }
0x157: {  	_ =	swait.ge @!p0 [sflag:s0], s1  }
0x158: {  	s1 =	ssub.s32 @!p0 $0x0, s1;
	[sflag:s0] =	ssyncset.done @!p0 $0x0  }
0x159: {  	[sflag:s0] =	ssyncadd.s32 @!p0 s1  }
0x15a: {  	[bflag:$0x3] =	sbarrier.arrive $0xFFFF  }
0x15b: {  	_ =	shalt  }

</sc_bundles>
